<compile_context>
chip_gen: v7x
topology: tpu7x:2x2x1
jax: 0.10.2.dev20260603
libtpu: 0.0.44.dev20260713+nightly
codegen_flags: <defaults>
</compile_context>

<pallas_src>
import functools

import jax
import jax.numpy as jnp
from jax import lax
from jax.experimental import pallas as pl
from jax.experimental.pallas import tpu as pltpu
from jax.experimental.pallas import tpu_sc as plsc


def _sc_gather_add(table, idx3, D):
    NW, NCH, CH = idx3.shape
    V, DP = table.shape
    NC = 2

    mesh = plsc.VectorSubcoreMesh(core_axis_name="c", subcore_axis_name="s")

    NBUF = 2
    assert NCH % NBUF == 0
    NGRP = NCH // NBUF
    NQ = D // 16

    @functools.partial(
        pl.kernel,
        out_type=jax.ShapeDtypeStruct((NW, NCH, CH, D), table.dtype),
        mesh=mesh,
        scratch_types=[
            pltpu.VMEM((NCH, CH), jnp.int32),
            pltpu.VMEM((NBUF, CH, DP), jnp.float32),
            pltpu.VMEM((NBUF, CH, D), jnp.float32),
            pltpu.SemaphoreType.DMA,
            pltpu.SemaphoreType.DMA,
        ],
    )
    def gather_kernel(tab_hbm, idx_hbm, out_hbm, idx_v, rows_v, out_v, gsem, ssem):
        wid = lax.axis_index("s") * NC + lax.axis_index("c")
        pltpu.sync_copy(idx_hbm.at[wid], idx_v)

        def gather(c, b):
            return pltpu.make_async_copy(
                tab_hbm.at[idx_v.at[c]], rows_v.at[b], gsem)

        def store(c, b):
            return pltpu.make_async_copy(
                out_v.at[b], out_hbm.at[wid, c], ssem)

        for b in range(NBUF):
            gather(b, b).start()

        def grp(g, carry):
            for b in range(NBUF):
                c = g * NBUF + b
                gather(c, b).wait()

                @pl.when(g > 0)
                def _():
                    store(c - NBUF, b).wait()

                @plsc.parallel_loop(0, CH, step=1, unroll=8)
                def _(i):
                    for q in range(NQ):
                        out_v[b, i, pl.ds(q * 16, 16)] = (
                            rows_v[b, i, pl.ds(q * 16, 16)]
                            + rows_v[b, i, pl.ds(D + q * 16, 16)])

                store(c, b).start()

                @pl.when(g < NGRP - 1)
                def _():
                    gather(c + NBUF, b).start()
            return carry

        lax.fori_loop(0, NGRP, grp, 0)
        for b in range(NBUF):
            store((NGRP - 1) * NBUF + b, b).wait()

    return gather_kernel(table, idx3)


def kernel(x, token_embed, pos_embed):
    B, S = x.shape
    V, D = token_embed.shape
    combined = jnp.concatenate([token_embed, pos_embed], axis=1)

    NW = 32
    CH = 128
    total = B * S
    assert total % (NW * CH) == 0
    NCH = total // (NW * CH)
    idx3 = x.reshape(NW, NCH, CH).astype(jnp.int32)
    out = _sc_gather_add(combined, idx3, D)
    return out.reshape(B, S, D)

# --- scband reference (transcript-rebuilt; emitter-appended) ---
"""Pipeline reference for scband-trans-cormer-49718541419150 (READ-ONLY COPY).

The authoritative reference and input builder live on the scoring server;
editing this copy changes nothing except your own understanding.
"""

import jax, jax.numpy as jnp
import numpy as np

N_TOKENS = 100000
N_EMBED = 64
N_POSITIONS = 100000
BATCH = 4096
SEQ = 200

def setup_inputs(seed: int = 0) -> dict:
    key = jax.random.key(seed)
    k_idx, k_tok, k_pos = jax.random.split(key, 3)
    x = jax.random.randint(k_idx, (BATCH, SEQ), 0, N_TOKENS, dtype=jnp.int64 if jax.config.jax_enable_x64 else jnp.int32)
    token_embed = jax.random.normal(k_tok, (N_TOKENS, N_EMBED), dtype=jnp.float32)
    pos_embed = jax.random.normal(k_pos, (N_POSITIONS, N_EMBED), dtype=jnp.float32)
    return {"x": x, "token_embed": token_embed, "pos_embed": pos_embed}

def reference(x, token_embed, pos_embed):
    # e = token_embed(x) + pos_embed(x)  (module indexes both tables with x)
    e = jnp.take(token_embed, x, axis=0) + jnp.take(pos_embed, x, axis=0)
    return e

if __name__ == "__main__":
    import jax
    _d = setup_inputs()
    print(jax.jit(kernel)(*tuple(_d.values())))

</pallas_src>

<mosaic_0001>
#map = affine_map<(d0, d1) -> (0, 0)>
#map1 = affine_map<(d0, d1) -> (0, 0, 0)>
#map2 = affine_map<(d0, d1) -> (0, 0, 0, 0)>
module attributes {stable_mosaic.version = 14 : i64} {
  func.func @gather_kernel(%arg0: i32, %arg1: i32, %arg2: memref<100000x128xf32, #tpu.memory_space<hbm>>, %arg3: memref<32x200x128xi32, #tpu.memory_space<hbm>>, %arg4: memref<32x200x128x64xf32, #tpu.memory_space<hbm>>, %arg5: memref<200x128xi32, #tpu.memory_space<vmem>>, %arg6: memref<2x128x128xf32, #tpu.memory_space<vmem>>, %arg7: memref<2x128x64xf32, #tpu.memory_space<vmem>>, %arg8: memref<!tpu.dma_semaphore, #tpu.memory_space<semaphore_mem>>, %arg9: memref<!tpu.dma_semaphore, #tpu.memory_space<semaphore_mem>>) attributes {dimension_semantics = [#tpu.dimension_semantics<core_parallel>, #tpu.dimension_semantics<subcore_parallel>], iteration_bounds = array<i64: 2, 16>, scalar_prefetch = 0 : i64, scratch_operands = 5 : i64, tpu.core_type = #tpu.core_type<sc_vector_subcore>, window_params = [{transform_indices = #map}, {transform_indices = #map1}, {transform_indices = #map2}]} {
    %mul3A = arith.constant 2 : i32
    %mul3A_0 = arith.muli %arg1, %mul3A : i32
    %add3A = arith.addi %mul3A_0, %arg0 : i32
    "tpu.region"() ({
      %run_scoped3A = tpu.sem_alloc : memref<!tpu.dma_semaphore, #tpu.memory_space<semaphore_mem>>
      %dma_start3A_64 = arith.constant 0 : i32
      %dma_start3A_65 = arith.constant 0 : i32
      %dma_start3A_66 = tpu.memref_slice %arg3[%add3A, %dma_start3A_64, %dma_start3A_65] : memref<32x200x128xi32, #tpu.memory_space<hbm>> -> memref<1x200x128xi32, #tpu.memory_space<hbm>>
      %dma_start3A_67 = tpu.memref_squeeze %dma_start3A_66 : memref<1x200x128xi32, #tpu.memory_space<hbm>> -> memref<200x128xi32, #tpu.memory_space<hbm>>
      %dma_start3A_68 = arith.constant 0 : i32
      %dma_start3A_69 = arith.constant 0 : i32
      %dma_start3A_70 = tpu.memref_slice %arg3[%add3A, %dma_start3A_68, %dma_start3A_69] : memref<32x200x128xi32, #tpu.memory_space<hbm>> -> memref<1x200x128xi32, #tpu.memory_space<hbm>>
      %dma_start3A_71 = tpu.memref_squeeze %dma_start3A_70 : memref<1x200x128xi32, #tpu.memory_space<hbm>> -> memref<200x128xi32, #tpu.memory_space<hbm>>
      tpu.enqueue_dma source(%dma_start3A_71 : memref<200x128xi32, #tpu.memory_space<hbm>>) target(%arg5 : memref<200x128xi32, #tpu.memory_space<vmem>>) target_semaphore(%run_scoped3A : memref<!tpu.dma_semaphore, #tpu.memory_space<semaphore_mem>>)
      %dma_wait3A_72 = arith.constant 0 : i32
      %dma_wait3A_73 = arith.constant 0 : i32
      %dma_wait3A_74 = tpu.memref_slice %arg3[%add3A, %dma_wait3A_72, %dma_wait3A_73] : memref<32x200x128xi32, #tpu.memory_space<hbm>> -> memref<1x200x128xi32, #tpu.memory_space<hbm>>
      %dma_wait3A_75 = tpu.memref_squeeze %dma_wait3A_74 : memref<1x200x128xi32, #tpu.memory_space<hbm>> -> memref<200x128xi32, #tpu.memory_space<hbm>>
      %dma_wait3A_76 = arith.constant 0 : i32
      %dma_wait3A_77 = arith.constant 0 : i32
      %dma_wait3A_78 = tpu.memref_slice %arg3[%add3A, %dma_wait3A_76, %dma_wait3A_77] : memref<32x200x128xi32, #tpu.memory_space<hbm>> -> memref<1x200x128xi32, #tpu.memory_space<hbm>>
      %dma_wait3A_79 = tpu.memref_squeeze %dma_wait3A_78 : memref<1x200x128xi32, #tpu.memory_space<hbm>> -> memref<200x128xi32, #tpu.memory_space<hbm>>
      tpu.wait_dma2 semaphore(%run_scoped3A : memref<!tpu.dma_semaphore, #tpu.memory_space<semaphore_mem>>) src(%dma_wait3A_79 : memref<200x128xi32, #tpu.memory_space<hbm>>) dst(%arg5 : memref<200x128xi32, #tpu.memory_space<vmem>>)
      tpu.yield
    }) : () -> ()
    %dma_start3A = arith.constant 0 : i32
    %dma_start3A_1 = arith.constant 0 : i32
    %dma_start3A_2 = arith.constant 0 : i32
    %dma_start3A_3 = arith.constant 0 : i32
    %dma_start3A_4 = tpu.memref_slice %arg6[%dma_start3A_1, %dma_start3A_2, %dma_start3A_3] : memref<2x128x128xf32, #tpu.memory_space<vmem>> -> memref<1x128x128xf32, #tpu.memory_space<vmem>>
    %dma_start3A_5 = tpu.memref_squeeze %dma_start3A_4 : memref<1x128x128xf32, #tpu.memory_space<vmem>> -> memref<128x128xf32, #tpu.memory_space<vmem>>
    %dma_start3A_6 = arith.constant 0 : i32
    %dma_start3A_7 = tpu.memref_slice %arg5[%dma_start3A, %dma_start3A_6] : memref<200x128xi32, #tpu.memory_space<vmem>> -> memref<1x128xi32, #tpu.memory_space<vmem>>
    %dma_start3A_8 = tpu.memref_squeeze %dma_start3A_7 : memref<1x128xi32, #tpu.memory_space<vmem>> -> memref<128xi32, #tpu.memory_space<vmem>>
    %dma_start3A_9 = arith.constant 0 : i32
    %dma_start3A_10 = arith.constant 0 : i32
    %dma_start3A_11 = tpu.memref_slice %arg2[%dma_start3A_9, %dma_start3A_10] : memref<100000x128xf32, #tpu.memory_space<hbm>> -> memref<100000x128xf32, #tpu.memory_space<hbm>>
    tpu.enqueue_indirect_dma source(%dma_start3A_11 : memref<100000x128xf32, #tpu.memory_space<hbm>>) target(%dma_start3A_5 : memref<128x128xf32, #tpu.memory_space<vmem>>) offsets(%dma_start3A_8 : memref<128xi32, #tpu.memory_space<vmem>>) semaphore(%arg8 : memref<!tpu.dma_semaphore, #tpu.memory_space<semaphore_mem>>)
    %dma_start3A_12 = arith.constant 1 : i32
    %dma_start3A_13 = arith.constant 1 : i32
    %dma_start3A_14 = arith.constant 0 : i32
    %dma_start3A_15 = arith.constant 0 : i32
    %dma_start3A_16 = tpu.memref_slice %arg6[%dma_start3A_13, %dma_start3A_14, %dma_start3A_15] : memref<2x128x128xf32, #tpu.memory_space<vmem>> -> memref<1x128x128xf32, #tpu.memory_space<vmem>>
    %dma_start3A_17 = tpu.memref_squeeze %dma_start3A_16 : memref<1x128x128xf32, #tpu.memory_space<vmem>> -> memref<128x128xf32, #tpu.memory_space<vmem>>
    %dma_start3A_18 = arith.constant 0 : i32
    %dma_start3A_19 = tpu.memref_slice %arg5[%dma_start3A_12, %dma_start3A_18] : memref<200x128xi32, #tpu.memory_space<vmem>> -> memref<1x128xi32, #tpu.memory_space<vmem>>
    %dma_start3A_20 = tpu.memref_squeeze %dma_start3A_19 : memref<1x128xi32, #tpu.memory_space<vmem>> -> memref<128xi32, #tpu.memory_space<vmem>>
    %dma_start3A_21 = arith.constant 0 : i32
    %dma_start3A_22 = arith.constant 0 : i32
    %dma_start3A_23 = tpu.memref_slice %arg2[%dma_start3A_21, %dma_start3A_22] : memref<100000x128xf32, #tpu.memory_space<hbm>> -> memref<100000x128xf32, #tpu.memory_space<hbm>>
    tpu.enqueue_indirect_dma source(%dma_start3A_23 : memref<100000x128xf32, #tpu.memory_space<hbm>>) target(%dma_start3A_17 : memref<128x128xf32, #tpu.memory_space<vmem>>) offsets(%dma_start3A_20 : memref<128xi32, #tpu.memory_space<vmem>>) semaphore(%arg8 : memref<!tpu.dma_semaphore, #tpu.memory_space<semaphore_mem>>)
    %scan3A = arith.constant 0 : i32
    %scan3A_24 = arith.constant 0 : i32
    %scan3A_25 = arith.constant 100 : i32
    %scan3A_26 = arith.addi %scan3A_24, %scan3A_25 : i32
    %scan3A_27 = arith.constant 1 : i32
    scf.for %scan3A_64 = %scan3A_24 to %scan3A_26 step %scan3A_27  : i32 {
      %mul3A_65 = arith.constant 2 : i32
      %mul3A_66 = arith.muli %scan3A_64, %mul3A_65 : i32
      %add3A_67 = arith.constant 0 : i32
      %add3A_68 = arith.addi %mul3A_66, %add3A_67 : i32
      %dma_wait3A_69 = arith.constant 0 : i32
      %dma_wait3A_70 = arith.constant 0 : i32
      %dma_wait3A_71 = arith.constant 0 : i32
      %dma_wait3A_72 = tpu.memref_slice %arg6[%dma_wait3A_69, %dma_wait3A_70, %dma_wait3A_71] : memref<2x128x128xf32, #tpu.memory_space<vmem>> -> memref<1x128x128xf32, #tpu.memory_space<vmem>>
      %dma_wait3A_73 = tpu.memref_squeeze %dma_wait3A_72 : memref<1x128x128xf32, #tpu.memory_space<vmem>> -> memref<128x128xf32, #tpu.memory_space<vmem>>
      %dma_wait3A_74 = arith.constant 0 : i32
      %dma_wait3A_75 = tpu.memref_slice %arg5[%add3A_68, %dma_wait3A_74] : memref<200x128xi32, #tpu.memory_space<vmem>> -> memref<1x128xi32, #tpu.memory_space<vmem>>
      %dma_wait3A_76 = tpu.memref_squeeze %dma_wait3A_75 : memref<1x128xi32, #tpu.memory_space<vmem>> -> memref<128xi32, #tpu.memory_space<vmem>>
      %dma_wait3A_77 = arith.constant 0 : i32
      %dma_wait3A_78 = arith.constant 0 : i32
      %dma_wait3A_79 = tpu.memref_slice %arg2[%dma_wait3A_77, %dma_wait3A_78] : memref<100000x128xf32, #tpu.memory_space<hbm>> -> memref<100000x128xf32, #tpu.memory_space<hbm>>
      tpu.wait_indirect_dma semaphore(%arg8 : memref<!tpu.dma_semaphore, #tpu.memory_space<semaphore_mem>>) src(%dma_wait3A_79 : memref<100000x128xf32, #tpu.memory_space<hbm>>) dst(%dma_wait3A_73 : memref<128x128xf32, #tpu.memory_space<vmem>>)
      %gt3A = arith.constant 0 : i32
      %gt3A_80 = arith.cmpi sgt, %scan3A_64, %gt3A : i32
      %convert_element_type3A = arith.extui %gt3A_80 : i1 to i32
      %cond3A = arith.constant 0 : i32
      %cond3A_81 = arith.cmpi ne, %convert_element_type3A, %cond3A : i32
      scf.if %cond3A_81 {
        %sub3A = arith.constant 2 : i32
        %sub3A_150 = arith.subi %add3A_68, %sub3A : i32
        %dma_wait3A_151 = arith.constant 0 : i32
        %dma_wait3A_152 = arith.constant 0 : i32
        %dma_wait3A_153 = arith.constant 0 : i32
        %dma_wait3A_154 = tpu.memref_slice %arg7[%dma_wait3A_151, %dma_wait3A_152, %dma_wait3A_153] : memref<2x128x64xf32, #tpu.memory_space<vmem>> -> memref<1x128x64xf32, #tpu.memory_space<vmem>>
        %dma_wait3A_155 = tpu.memref_squeeze %dma_wait3A_154 : memref<1x128x64xf32, #tpu.memory_space<vmem>> -> memref<128x64xf32, #tpu.memory_space<vmem>>
        %dma_wait3A_156 = arith.constant 0 : i32
        %dma_wait3A_157 = arith.constant 0 : i32
        %dma_wait3A_158 = tpu.memref_slice %arg4[%add3A, %sub3A_150, %dma_wait3A_156, %dma_wait3A_157] : memref<32x200x128x64xf32, #tpu.memory_space<hbm>> -> memref<1x1x128x64xf32, #tpu.memory_space<hbm>>
        %dma_wait3A_159 = tpu.memref_squeeze %dma_wait3A_158 : memref<1x1x128x64xf32, #tpu.memory_space<hbm>> -> memref<128x64xf32, #tpu.memory_space<hbm>>
        %dma_wait3A_160 = arith.constant 0 : i32
        %dma_wait3A_161 = arith.constant 0 : i32
        %dma_wait3A_162 = tpu.memref_slice %arg4[%add3A, %sub3A_150, %dma_wait3A_160, %dma_wait3A_161] : memref<32x200x128x64xf32, #tpu.memory_space<hbm>> -> memref<1x1x128x64xf32, #tpu.memory_space<hbm>>
        %dma_wait3A_163 = tpu.memref_squeeze %dma_wait3A_162 : memref<1x1x128x64xf32, #tpu.memory_space<hbm>> -> memref<128x64xf32, #tpu.memory_space<hbm>>
        %dma_wait3A_164 = arith.constant 0 : i32
        %dma_wait3A_165 = arith.constant 0 : i32
        %dma_wait3A_166 = tpu.memref_slice %arg7[%dma_wait3A_151, %dma_wait3A_164, %dma_wait3A_165] : memref<2x128x64xf32, #tpu.memory_space<vmem>> -> memref<1x128x64xf32, #tpu.memory_space<vmem>>
        %dma_wait3A_167 = tpu.memref_squeeze %dma_wait3A_166 : memref<1x128x64xf32, #tpu.memory_space<vmem>> -> memref<128x64xf32, #tpu.memory_space<vmem>>
        tpu.wait_dma2 semaphore(%arg9 : memref<!tpu.dma_semaphore, #tpu.memory_space<semaphore_mem>>) src(%dma_wait3A_167 : memref<128x64xf32, #tpu.memory_space<vmem>>) dst(%dma_wait3A_163 : memref<128x64xf32, #tpu.memory_space<hbm>>)
      } else {
      }
      %parallel_loop3A = arith.constant 0 : i32
      %parallel_loop3A_82 = arith.constant 128 : i32
      %parallel_loop3A_83 = arith.constant 1 : i32
      scf.for %parallel_loop3A_150 = %parallel_loop3A to %parallel_loop3A_82 step %parallel_loop3A_83  : i32 {
        %parallel_loop3A_151 = arith.constant 0 : i32
        %parallel_loop3A_152 = arith.index_cast %parallel_loop3A_151 : i32 to index
        %parallel_loop3A_153 = arith.index_cast %parallel_loop3A_150 : i32 to index
        %parallel_loop3A_154 = arith.constant 0 : index
        %parallel_loop3A_155 = tpu.vector_load %arg6[%parallel_loop3A_152, %parallel_loop3A_153, %parallel_loop3A_154] {strides = array<i32>} : memref<2x128x128xf32, #tpu.memory_space<vmem>>, vector<1x1x16xf32>,
        %parallel_loop3A_156 = vector.shape_cast %parallel_loop3A_155 : vector<1x1x16xf32> to vector<16xf32>
        %parallel_loop3A_157 = arith.constant 0 : i32
        %parallel_loop3A_158 = arith.index_cast %parallel_loop3A_157 : i32 to index
        %parallel_loop3A_159 = arith.index_cast %parallel_loop3A_150 : i32 to index
        %parallel_loop3A_160 = arith.constant 64 : index
        %parallel_loop3A_161 = tpu.vector_load %arg6[%parallel_loop3A_158, %parallel_loop3A_159, %parallel_loop3A_160] {strides = array<i32>} : memref<2x128x128xf32, #tpu.memory_space<vmem>>, vector<1x1x16xf32>,
        %parallel_loop3A_162 = vector.shape_cast %parallel_loop3A_161 : vector<1x1x16xf32> to vector<16xf32>
        %parallel_loop3A_163 = arith.addf %parallel_loop3A_156, %parallel_loop3A_162 : vector<16xf32>
        %parallel_loop3A_164 = arith.constant 0 : i32
        %parallel_loop3A_165 = arith.index_cast %parallel_loop3A_164 : i32 to index
        %parallel_loop3A_166 = arith.index_cast %parallel_loop3A_150 : i32 to index
        %parallel_loop3A_167 = arith.constant 0 : index
        %parallel_loop3A_168 = tpu.vector_load %arg7[%parallel_loop3A_165, %parallel_loop3A_166, %parallel_loop3A_167] {strides = array<i32>} : memref<2x128x64xf32, #tpu.memory_space<vmem>>, vector<1x1x16xf32>,
        %parallel_loop3A_169 = vector.shape_cast %parallel_loop3A_168 : vector<1x1x16xf32> to vector<16xf32>
        %parallel_loop3A_170 = vector.shape_cast %parallel_loop3A_163 : vector<16xf32> to vector<1x1x16xf32>
        tpu.vector_store %arg7[%parallel_loop3A_165, %parallel_loop3A_166, %parallel_loop3A_167], %parallel_loop3A_170 {strides = array<i32>} : memref<2x128x64xf32, #tpu.memory_space<vmem>>, vector<1x1x16xf32>,
        %parallel_loop3A_171 = arith.constant 0 : i32
        %parallel_loop3A_172 = arith.index_cast %parallel_loop3A_171 : i32 to index
        %parallel_loop3A_173 = arith.index_cast %parallel_loop3A_150 : i32 to index
        %parallel_loop3A_174 = arith.constant 16 : index
        %parallel_loop3A_175 = tpu.vector_load %arg6[%parallel_loop3A_172, %parallel_loop3A_173, %parallel_loop3A_174] {strides = array<i32>} : memref<2x128x128xf32, #tpu.memory_space<vmem>>, vector<1x1x16xf32>,
        %parallel_loop3A_176 = vector.shape_cast %parallel_loop3A_175 : vector<1x1x16xf32> to vector<16xf32>
        %parallel_loop3A_177 = arith.constant 0 : i32
        %parallel_loop3A_178 = arith.index_cast %parallel_loop3A_177 : i32 to index
        %parallel_loop3A_179 = arith.index_cast %parallel_loop3A_150 : i32 to index
        %parallel_loop3A_180 = arith.constant 80 : index
        %parallel_loop3A_181 = tpu.vector_load %arg6[%parallel_loop3A_178, %parallel_loop3A_179, %parallel_loop3A_180] {strides = array<i32>} : memref<2x128x128xf32, #tpu.memory_space<vmem>>, vector<1x1x16xf32>,
        %parallel_loop3A_182 = vector.shape_cast %parallel_loop3A_181 : vector<1x1x16xf32> to vector<16xf32>
        %parallel_loop3A_183 = arith.addf %parallel_loop3A_176, %parallel_loop3A_182 : vector<16xf32>
        %parallel_loop3A_184 = arith.constant 0 : i32
        %parallel_loop3A_185 = arith.index_cast %parallel_loop3A_184 : i32 to index
        %parallel_loop3A_186 = arith.index_cast %parallel_loop3A_150 : i32 to index
        %parallel_loop3A_187 = arith.constant 16 : index
        %parallel_loop3A_188 = tpu.vector_load %arg7[%parallel_loop3A_185, %parallel_loop3A_186, %parallel_loop3A_187] {strides = array<i32>} : memref<2x128x64xf32, #tpu.memory_space<vmem>>, vector<1x1x16xf32>,
        %parallel_loop3A_189 = vector.shape_cast %parallel_loop3A_188 : vector<1x1x16xf32> to vector<16xf32>
        %parallel_loop3A_190 = vector.shape_cast %parallel_loop3A_183 : vector<16xf32> to vector<1x1x16xf32>
        tpu.vector_store %arg7[%parallel_loop3A_185, %parallel_loop3A_186, %parallel_loop3A_187], %parallel_loop3A_190 {strides = array<i32>} : memref<2x128x64xf32, #tpu.memory_space<vmem>>, vector<1x1x16xf32>,
        %parallel_loop3A_191 = arith.constant 0 : i32
        %parallel_loop3A_192 = arith.index_cast %parallel_loop3A_191 : i32 to index
        %parallel_loop3A_193 = arith.index_cast %parallel_loop3A_150 : i32 to index
        %parallel_loop3A_194 = arith.constant 32 : index
        %parallel_loop3A_195 = tpu.vector_load %arg6[%parallel_loop3A_192, %parallel_loop3A_193, %parallel_loop3A_194] {strides = array<i32>} : memref<2x128x128xf32, #tpu.memory_space<vmem>>, vector<1x1x16xf32>,
        %parallel_loop3A_196 = vector.shape_cast %parallel_loop3A_195 : vector<1x1x16xf32> to vector<16xf32>
        %parallel_loop3A_197 = arith.constant 0 : i32
        %parallel_loop3A_198 = arith.index_cast %parallel_loop3A_197 : i32 to index
        %parallel_loop3A_199 = arith.index_cast %parallel_loop3A_150 : i32 to index
        %parallel_loop3A_200 = arith.constant 96 : index
        %parallel_loop3A_201 = tpu.vector_load %arg6[%parallel_loop3A_198, %parallel_loop3A_199, %parallel_loop3A_200] {strides = array<i32>} : memref<2x128x128xf32, #tpu.memory_space<vmem>>, vector<1x1x16xf32>,
        %parallel_loop3A_202 = vector.shape_cast %parallel_loop3A_201 : vector<1x1x16xf32> to vector<16xf32>
        %parallel_loop3A_203 = arith.addf %parallel_loop3A_196, %parallel_loop3A_202 : vector<16xf32>
        %parallel_loop3A_204 = arith.constant 0 : i32
        %parallel_loop3A_205 = arith.index_cast %parallel_loop3A_204 : i32 to index
        %parallel_loop3A_206 = arith.index_cast %parallel_loop3A_150 : i32 to index
        %parallel_loop3A_207 = arith.constant 32 : index
        %parallel_loop3A_208 = tpu.vector_load %arg7[%parallel_loop3A_205, %parallel_loop3A_206, %parallel_loop3A_207] {strides = array<i32>} : memref<2x128x64xf32, #tpu.memory_space<vmem>>, vector<1x1x16xf32>,
        %parallel_loop3A_209 = vector.shape_cast %parallel_loop3A_208 : vector<1x1x16xf32> to vector<16xf32>
        %parallel_loop3A_210 = vector.shape_cast %parallel_loop3A_203 : vector<16xf32> to vector<1x1x16xf32>
        tpu.vector_store %arg7[%parallel_loop3A_205, %parallel_loop3A_206, %parallel_loop3A_207], %parallel_loop3A_210 {strides = array<i32>} : memref<2x128x64xf32, #tpu.memory_space<vmem>>, vector<1x1x16xf32>,
        %parallel_loop3A_211 = arith.constant 0 : i32
        %parallel_loop3A_212 = arith.index_cast %parallel_loop3A_211 : i32 to index
        %parallel_loop3A_213 = arith.index_cast %parallel_loop3A_150 : i32 to index
        %parallel_loop3A_214 = arith.constant 48 : index
        %parallel_loop3A_215 = tpu.vector_load %arg6[%parallel_loop3A_212, %parallel_loop3A_213, %parallel_loop3A_214] {strides = array<i32>} : memref<2x128x128xf32, #tpu.memory_space<vmem>>, vector<1x1x16xf32>,
        %parallel_loop3A_216 = vector.shape_cast %parallel_loop3A_215 : vector<1x1x16xf32> to vector<16xf32>
        %parallel_loop3A_217 = arith.constant 0 : i32
        %parallel_loop3A_218 = arith.index_cast %parallel_loop3A_217 : i32 to index
        %parallel_loop3A_219 = arith.index_cast %parallel_loop3A_150 : i32 to index
        %parallel_loop3A_220 = arith.constant 112 : index
        %parallel_loop3A_221 = tpu.vector_load %arg6[%parallel_loop3A_218, %parallel_loop3A_219, %parallel_loop3A_220] {strides = array<i32>} : memref<2x128x128xf32, #tpu.memory_space<vmem>>, vector<1x1x16xf32>,
        %parallel_loop3A_222 = vector.shape_cast %parallel_loop3A_221 : vector<1x1x16xf32> to vector<16xf32>
        %parallel_loop3A_223 = arith.addf %parallel_loop3A_216, %parallel_loop3A_222 : vector<16xf32>
        %parallel_loop3A_224 = arith.constant 0 : i32
        %parallel_loop3A_225 = arith.index_cast %parallel_loop3A_224 : i32 to index
        %parallel_loop3A_226 = arith.index_cast %parallel_loop3A_150 : i32 to index
        %parallel_loop3A_227 = arith.constant 48 : index
        %parallel_loop3A_228 = tpu.vector_load %arg7[%parallel_loop3A_225, %parallel_loop3A_226, %parallel_loop3A_227] {strides = array<i32>} : memref<2x128x64xf32, #tpu.memory_space<vmem>>, vector<1x1x16xf32>,
        %parallel_loop3A_229 = vector.shape_cast %parallel_loop3A_228 : vector<1x1x16xf32> to vector<16xf32>
        %parallel_loop3A_230 = vector.shape_cast %parallel_loop3A_223 : vector<16xf32> to vector<1x1x16xf32>
        tpu.vector_store %arg7[%parallel_loop3A_225, %parallel_loop3A_226, %parallel_loop3A_227], %parallel_loop3A_230 {strides = array<i32>} : memref<2x128x64xf32, #tpu.memory_space<vmem>>, vector<1x1x16xf32>,
      } {sc.loop_unroll_factor = 8 : i64, sc.parallel_access}
      %dma_start3A_84 = arith.constant 0 : i32
      %dma_start3A_85 = arith.constant 0 : i32
      %dma_start3A_86 = arith.constant 0 : i32
      %dma_start3A_87 = tpu.memref_slice %arg7[%dma_start3A_84, %dma_start3A_85, %dma_start3A_86] : memref<2x128x64xf32, #tpu.memory_space<vmem>> -> memref<1x128x64xf32, #tpu.memory_space<vmem>>
      %dma_start3A_88 = tpu.memref_squeeze %dma_start3A_87 : memref<1x128x64xf32, #tpu.memory_space<vmem>> -> memref<128x64xf32, #tpu.memory_space<vmem>>
      %dma_start3A_89 = arith.constant 0 : i32
      %dma_start3A_90 = arith.constant 0 : i32
      %dma_start3A_91 = tpu.memref_slice %arg4[%add3A, %add3A_68, %dma_start3A_89, %dma_start3A_90] : memref<32x200x128x64xf32, #tpu.memory_space<hbm>> -> memref<1x1x128x64xf32, #tpu.memory_space<hbm>>
      %dma_start3A_92 = tpu.memref_squeeze %dma_start3A_91 : memref<1x1x128x64xf32, #tpu.memory_space<hbm>> -> memref<128x64xf32, #tpu.memory_space<hbm>>
      %dma_start3A_93 = arith.constant 0 : i32
      %dma_start3A_94 = arith.constant 0 : i32
      %dma_start3A_95 = tpu.memref_slice %arg4[%add3A, %add3A_68, %dma_start3A_93, %dma_start3A_94] : memref<32x200x128x64xf32, #tpu.memory_space<hbm>> -> memref<1x1x128x64xf32, #tpu.memory_space<hbm>>
      %dma_start3A_96 = tpu.memref_squeeze %dma_start3A_95 : memref<1x1x128x64xf32, #tpu.memory_space<hbm>> -> memref<128x64xf32, #tpu.memory_space<hbm>>
      %dma_start3A_97 = arith.constant 0 : i32
      %dma_start3A_98 = arith.constant 0 : i32
      %dma_start3A_99 = tpu.memref_slice %arg7[%dma_start3A_84, %dma_start3A_97, %dma_start3A_98] : memref<2x128x64xf32, #tpu.memory_space<vmem>> -> memref<1x128x64xf32, #tpu.memory_space<vmem>>
      %dma_start3A_100 = tpu.memref_squeeze %dma_start3A_99 : memref<1x128x64xf32, #tpu.memory_space<vmem>> -> memref<128x64xf32, #tpu.memory_space<vmem>>
      tpu.enqueue_dma source(%dma_start3A_100 : memref<128x64xf32, #tpu.memory_space<vmem>>) target(%dma_start3A_96 : memref<128x64xf32, #tpu.memory_space<hbm>>) target_semaphore(%arg9 : memref<!tpu.dma_semaphore, #tpu.memory_space<semaphore_mem>>)
      %lt3A = arith.constant 99 : i32
      %lt3A_101 = arith.cmpi slt, %scan3A_64, %lt3A : i32
      %convert_element_type3A_102 = arith.extui %lt3A_101 : i1 to i32
      %cond3A_103 = arith.constant 0 : i32
      %cond3A_104 = arith.cmpi ne, %convert_element_type3A_102, %cond3A_103 : i32
      scf.if %cond3A_104 {
        %add3A_150 = arith.constant 2 : i32
        %add3A_151 = arith.addi %add3A_68, %add3A_150 : i32
        %dma_start3A_152 = arith.constant 0 : i32
        %dma_start3A_153 = arith.constant 0 : i32
        %dma_start3A_154 = arith.constant 0 : i32
        %dma_start3A_155 = tpu.memref_slice %arg6[%dma_start3A_152, %dma_start3A_153, %dma_start3A_154] : memref<2x128x128xf32, #tpu.memory_space<vmem>> -> memref<1x128x128xf32, #tpu.memory_space<vmem>>
        %dma_start3A_156 = tpu.memref_squeeze %dma_start3A_155 : memref<1x128x128xf32, #tpu.memory_space<vmem>> -> memref<128x128xf32, #tpu.memory_space<vmem>>
        %dma_start3A_157 = arith.constant 0 : i32
        %dma_start3A_158 = tpu.memref_slice %arg5[%add3A_151, %dma_start3A_157] : memref<200x128xi32, #tpu.memory_space<vmem>> -> memref<1x128xi32, #tpu.memory_space<vmem>>
        %dma_start3A_159 = tpu.memref_squeeze %dma_start3A_158 : memref<1x128xi32, #tpu.memory_space<vmem>> -> memref<128xi32, #tpu.memory_space<vmem>>
        %dma_start3A_160 = arith.constant 0 : i32
        %dma_start3A_161 = arith.constant 0 : i32
        %dma_start3A_162 = tpu.memref_slice %arg2[%dma_start3A_160, %dma_start3A_161] : memref<100000x128xf32, #tpu.memory_space<hbm>> -> memref<100000x128xf32, #tpu.memory_space<hbm>>
        tpu.enqueue_indirect_dma source(%dma_start3A_162 : memref<100000x128xf32, #tpu.memory_space<hbm>>) target(%dma_start3A_156 : memref<128x128xf32, #tpu.memory_space<vmem>>) offsets(%dma_start3A_159 : memref<128xi32, #tpu.memory_space<vmem>>) semaphore(%arg8 : memref<!tpu.dma_semaphore, #tpu.memory_space<semaphore_mem>>)
      } else {
      }
      %mul3A_105 = arith.constant 2 : i32
      %mul3A_106 = arith.muli %scan3A_64, %mul3A_105 : i32
      %add3A_107 = arith.constant 1 : i32
      %add3A_108 = arith.addi %mul3A_106, %add3A_107 : i32
      %dma_wait3A_109 = arith.constant 1 : i32
      %dma_wait3A_110 = arith.constant 0 : i32
      %dma_wait3A_111 = arith.constant 0 : i32
      %dma_wait3A_112 = tpu.memref_slice %arg6[%dma_wait3A_109, %dma_wait3A_110, %dma_wait3A_111] : memref<2x128x128xf32, #tpu.memory_space<vmem>> -> memref<1x128x128xf32, #tpu.memory_space<vmem>>
      %dma_wait3A_113 = tpu.memref_squeeze %dma_wait3A_112 : memref<1x128x128xf32, #tpu.memory_space<vmem>> -> memref<128x128xf32, #tpu.memory_space<vmem>>
      %dma_wait3A_114 = arith.constant 0 : i32
      %dma_wait3A_115 = tpu.memref_slice %arg5[%add3A_108, %dma_wait3A_114] : memref<200x128xi32, #tpu.memory_space<vmem>> -> memref<1x128xi32, #tpu.memory_space<vmem>>
      %dma_wait3A_116 = tpu.memref_squeeze %dma_wait3A_115 : memref<1x128xi32, #tpu.memory_space<vmem>> -> memref<128xi32, #tpu.memory_space<vmem>>
      %dma_wait3A_117 = arith.constant 0 : i32
      %dma_wait3A_118 = arith.constant 0 : i32
      %dma_wait3A_119 = tpu.memref_slice %arg2[%dma_wait3A_117, %dma_wait3A_118] : memref<100000x128xf32, #tpu.memory_space<hbm>> -> memref<100000x128xf32, #tpu.memory_space<hbm>>
      tpu.wait_indirect_dma semaphore(%arg8 : memref<!tpu.dma_semaphore, #tpu.memory_space<semaphore_mem>>) src(%dma_wait3A_119 : memref<100000x128xf32, #tpu.memory_space<hbm>>) dst(%dma_wait3A_113 : memref<128x128xf32, #tpu.memory_space<vmem>>)
      %gt3A_120 = arith.constant 0 : i32
      %gt3A_121 = arith.cmpi sgt, %scan3A_64, %gt3A_120 : i32
      %convert_element_type3A_122 = arith.extui %gt3A_121 : i1 to i32
      %cond3A_123 = arith.constant 0 : i32
      %cond3A_124 = arith.cmpi ne, %convert_element_type3A_122, %cond3A_123 : i32
      scf.if %cond3A_124 {
        %sub3A = arith.constant 2 : i32
        %sub3A_150 = arith.subi %add3A_108, %sub3A : i32
        %dma_wait3A_151 = arith.constant 1 : i32
        %dma_wait3A_152 = arith.constant 0 : i32
        %dma_wait3A_153 = arith.constant 0 : i32
        %dma_wait3A_154 = tpu.memref_slice %arg7[%dma_wait3A_151, %dma_wait3A_152, %dma_wait3A_153] : memref<2x128x64xf32, #tpu.memory_space<vmem>> -> memref<1x128x64xf32, #tpu.memory_space<vmem>>
        %dma_wait3A_155 = tpu.memref_squeeze %dma_wait3A_154 : memref<1x128x64xf32, #tpu.memory_space<vmem>> -> memref<128x64xf32, #tpu.memory_space<vmem>>
        %dma_wait3A_156 = arith.constant 0 : i32
        %dma_wait3A_157 = arith.constant 0 : i32
        %dma_wait3A_158 = tpu.memref_slice %arg4[%add3A, %sub3A_150, %dma_wait3A_156, %dma_wait3A_157] : memref<32x200x128x64xf32, #tpu.memory_space<hbm>> -> memref<1x1x128x64xf32, #tpu.memory_space<hbm>>
        %dma_wait3A_159 = tpu.memref_squeeze %dma_wait3A_158 : memref<1x1x128x64xf32, #tpu.memory_space<hbm>> -> memref<128x64xf32, #tpu.memory_space<hbm>>
        %dma_wait3A_160 = arith.constant 0 : i32
        %dma_wait3A_161 = arith.constant 0 : i32
        %dma_wait3A_162 = tpu.memref_slice %arg4[%add3A, %sub3A_150, %dma_wait3A_160, %dma_wait3A_161] : memref<32x200x128x64xf32, #tpu.memory_space<hbm>> -> memref<1x1x128x64xf32, #tpu.memory_space<hbm>>
        %dma_wait3A_163 = tpu.memref_squeeze %dma_wait3A_162 : memref<1x1x128x64xf32, #tpu.memory_space<hbm>> -> memref<128x64xf32, #tpu.memory_space<hbm>>
        %dma_wait3A_164 = arith.constant 0 : i32
        %dma_wait3A_165 = arith.constant 0 : i32
        %dma_wait3A_166 = tpu.memref_slice %arg7[%dma_wait3A_151, %dma_wait3A_164, %dma_wait3A_165] : memref<2x128x64xf32, #tpu.memory_space<vmem>> -> memref<1x128x64xf32, #tpu.memory_space<vmem>>
        %dma_wait3A_167 = tpu.memref_squeeze %dma_wait3A_166 : memref<1x128x64xf32, #tpu.memory_space<vmem>> -> memref<128x64xf32, #tpu.memory_space<vmem>>
        tpu.wait_dma2 semaphore(%arg9 : memref<!tpu.dma_semaphore, #tpu.memory_space<semaphore_mem>>) src(%dma_wait3A_167 : memref<128x64xf32, #tpu.memory_space<vmem>>) dst(%dma_wait3A_163 : memref<128x64xf32, #tpu.memory_space<hbm>>)
      } else {
      }
      %parallel_loop3A_125 = arith.constant 0 : i32
      %parallel_loop3A_126 = arith.constant 128 : i32
      %parallel_loop3A_127 = arith.constant 1 : i32
      scf.for %parallel_loop3A_150 = %parallel_loop3A_125 to %parallel_loop3A_126 step %parallel_loop3A_127  : i32 {
        %parallel_loop3A_151 = arith.constant 1 : i32
        %parallel_loop3A_152 = arith.index_cast %parallel_loop3A_151 : i32 to index
        %parallel_loop3A_153 = arith.index_cast %parallel_loop3A_150 : i32 to index
        %parallel_loop3A_154 = arith.constant 0 : index
        %parallel_loop3A_155 = tpu.vector_load %arg6[%parallel_loop3A_152, %parallel_loop3A_153, %parallel_loop3A_154] {strides = array<i32>} : memref<2x128x128xf32, #tpu.memory_space<vmem>>, vector<1x1x16xf32>,
        %parallel_loop3A_156 = vector.shape_cast %parallel_loop3A_155 : vector<1x1x16xf32> to vector<16xf32>
        %parallel_loop3A_157 = arith.constant 1 : i32
        %parallel_loop3A_158 = arith.index_cast %parallel_loop3A_157 : i32 to index
        %parallel_loop3A_159 = arith.index_cast %parallel_loop3A_150 : i32 to index
        %parallel_loop3A_160 = arith.constant 64 : index
        %parallel_loop3A_161 = tpu.vector_load %arg6[%parallel_loop3A_158, %parallel_loop3A_159, %parallel_loop3A_160] {strides = array<i32>} : memref<2x128x128xf32, #tpu.memory_space<vmem>>, vector<1x1x16xf32>,
        %parallel_loop3A_162 = vector.shape_cast %parallel_loop3A_161 : vector<1x1x16xf32> to vector<16xf32>
        %parallel_loop3A_163 = arith.addf %parallel_loop3A_156, %parallel_loop3A_162 : vector<16xf32>
        %parallel_loop3A_164 = arith.constant 1 : i32
        %parallel_loop3A_165 = arith.index_cast %parallel_loop3A_164 : i32 to index
        %parallel_loop3A_166 = arith.index_cast %parallel_loop3A_150 : i32 to index
        %parallel_loop3A_167 = arith.constant 0 : index
        %parallel_loop3A_168 = tpu.vector_load %arg7[%parallel_loop3A_165, %parallel_loop3A_166, %parallel_loop3A_167] {strides = array<i32>} : memref<2x128x64xf32, #tpu.memory_space<vmem>>, vector<1x1x16xf32>,
        %parallel_loop3A_169 = vector.shape_cast %parallel_loop3A_168 : vector<1x1x16xf32> to vector<16xf32>
        %parallel_loop3A_170 = vector.shape_cast %parallel_loop3A_163 : vector<16xf32> to vector<1x1x16xf32>
        tpu.vector_store %arg7[%parallel_loop3A_165, %parallel_loop3A_166, %parallel_loop3A_167], %parallel_loop3A_170 {strides = array<i32>} : memref<2x128x64xf32, #tpu.memory_space<vmem>>, vector<1x1x16xf32>,
        %parallel_loop3A_171 = arith.constant 1 : i32
        %parallel_loop3A_172 = arith.index_cast %parallel_loop3A_171 : i32 to index
        %parallel_loop3A_173 = arith.index_cast %parallel_loop3A_150 : i32 to index
        %parallel_loop3A_174 = arith.constant 16 : index
        %parallel_loop3A_175 = tpu.vector_load %arg6[%parallel_loop3A_172, %parallel_loop3A_173, %parallel_loop3A_174] {strides = array<i32>} : memref<2x128x128xf32, #tpu.memory_space<vmem>>, vector<1x1x16xf32>,
        %parallel_loop3A_176 = vector.shape_cast %parallel_loop3A_175 : vector<1x1x16xf32> to vector<16xf32>
        %parallel_loop3A_177 = arith.constant 1 : i32
        %parallel_loop3A_178 = arith.index_cast %parallel_loop3A_177 : i32 to index
        %parallel_loop3A_179 = arith.index_cast %parallel_loop3A_150 : i32 to index
        %parallel_loop3A_180 = arith.constant 80 : index
        %parallel_loop3A_181 = tpu.vector_load %arg6[%parallel_loop3A_178, %parallel_loop3A_179, %parallel_loop3A_180] {strides = array<i32>} : memref<2x128x128xf32, #tpu.memory_space<vmem>>, vector<1x1x16xf32>,
        %parallel_loop3A_182 = vector.shape_cast %parallel_loop3A_181 : vector<1x1x16xf32> to vector<16xf32>
        %parallel_loop3A_183 = arith.addf %parallel_loop3A_176, %parallel_loop3A_182 : vector<16xf32>
        %parallel_loop3A_184 = arith.constant 1 : i32
        %parallel_loop3A_185 = arith.index_cast %parallel_loop3A_184 : i32 to index
        %parallel_loop3A_186 = arith.index_cast %parallel_loop3A_150 : i32 to index
        %parallel_loop3A_187 = arith.constant 16 : index
        %parallel_loop3A_188 = tpu.vector_load %arg7[%parallel_loop3A_185, %parallel_loop3A_186, %parallel_loop3A_187] {strides = array<i32>} : memref<2x128x64xf32, #tpu.memory_space<vmem>>, vector<1x1x16xf32>,
        %parallel_loop3A_189 = vector.shape_cast %parallel_loop3A_188 : vector<1x1x16xf32> to vector<16xf32>
        %parallel_loop3A_190 = vector.shape_cast %parallel_loop3A_183 : vector<16xf32> to vector<1x1x16xf32>
        tpu.vector_store %arg7[%parallel_loop3A_185, %parallel_loop3A_186, %parallel_loop3A_187], %parallel_loop3A_190 {strides = array<i32>} : memref<2x128x64xf32, #tpu.memory_space<vmem>>, vector<1x1x16xf32>,
        %parallel_loop3A_191 = arith.constant 1 : i32
        %parallel_loop3A_192 = arith.index_cast %parallel_loop3A_191 : i32 to index
        %parallel_loop3A_193 = arith.index_cast %parallel_loop3A_150 : i32 to index
        %parallel_loop3A_194 = arith.constant 32 : index
        %parallel_loop3A_195 = tpu.vector_load %arg6[%parallel_loop3A_192, %parallel_loop3A_193, %parallel_loop3A_194] {strides = array<i32>} : memref<2x128x128xf32, #tpu.memory_space<vmem>>, vector<1x1x16xf32>,
        %parallel_loop3A_196 = vector.shape_cast %parallel_loop3A_195 : vector<1x1x16xf32> to vector<16xf32>
        %parallel_loop3A_197 = arith.constant 1 : i32
        %parallel_loop3A_198 = arith.index_cast %parallel_loop3A_197 : i32 to index
        %parallel_loop3A_199 = arith.index_cast %parallel_loop3A_150 : i32 to index
        %parallel_loop3A_200 = arith.constant 96 : index
        %parallel_loop3A_201 = tpu.vector_load %arg6[%parallel_loop3A_198, %parallel_loop3A_199, %parallel_loop3A_200] {strides = array<i32>} : memref<2x128x128xf32, #tpu.memory_space<vmem>>, vector<1x1x16xf32>,
        %parallel_loop3A_202 = vector.shape_cast %parallel_loop3A_201 : vector<1x1x16xf32> to vector<16xf32>
        %parallel_loop3A_203 = arith.addf %parallel_loop3A_196, %parallel_loop3A_202 : vector<16xf32>
        %parallel_loop3A_204 = arith.constant 1 : i32
        %parallel_loop3A_205 = arith.index_cast %parallel_loop3A_204 : i32 to index
        %parallel_loop3A_206 = arith.index_cast %parallel_loop3A_150 : i32 to index
        %parallel_loop3A_207 = arith.constant 32 : index
        %parallel_loop3A_208 = tpu.vector_load %arg7[%parallel_loop3A_205, %parallel_loop3A_206, %parallel_loop3A_207] {strides = array<i32>} : memref<2x128x64xf32, #tpu.memory_space<vmem>>, vector<1x1x16xf32>,
        %parallel_loop3A_209 = vector.shape_cast %parallel_loop3A_208 : vector<1x1x16xf32> to vector<16xf32>
        %parallel_loop3A_210 = vector.shape_cast %parallel_loop3A_203 : vector<16xf32> to vector<1x1x16xf32>
        tpu.vector_store %arg7[%parallel_loop3A_205, %parallel_loop3A_206, %parallel_loop3A_207], %parallel_loop3A_210 {strides = array<i32>} : memref<2x128x64xf32, #tpu.memory_space<vmem>>, vector<1x1x16xf32>,
        %parallel_loop3A_211 = arith.constant 1 : i32
        %parallel_loop3A_212 = arith.index_cast %parallel_loop3A_211 : i32 to index
        %parallel_loop3A_213 = arith.index_cast %parallel_loop3A_150 : i32 to index
        %parallel_loop3A_214 = arith.constant 48 : index
        %parallel_loop3A_215 = tpu.vector_load %arg6[%parallel_loop3A_212, %parallel_loop3A_213, %parallel_loop3A_214] {strides = array<i32>} : memref<2x128x128xf32, #tpu.memory_space<vmem>>, vector<1x1x16xf32>,
        %parallel_loop3A_216 = vector.shape_cast %parallel_loop3A_215 : vector<1x1x16xf32> to vector<16xf32>
        %parallel_loop3A_217 = arith.constant 1 : i32
        %parallel_loop3A_218 = arith.index_cast %parallel_loop3A_217 : i32 to index
        %parallel_loop3A_219 = arith.index_cast %parallel_loop3A_150 : i32 to index
        %parallel_loop3A_220 = arith.constant 112 : index
        %parallel_loop3A_221 = tpu.vector_load %arg6[%parallel_loop3A_218, %parallel_loop3A_219, %parallel_loop3A_220] {strides = array<i32>} : memref<2x128x128xf32, #tpu.memory_space<vmem>>, vector<1x1x16xf32>,
        %parallel_loop3A_222 = vector.shape_cast %parallel_loop3A_221 : vector<1x1x16xf32> to vector<16xf32>
        %parallel_loop3A_223 = arith.addf %parallel_loop3A_216, %parallel_loop3A_222 : vector<16xf32>
        %parallel_loop3A_224 = arith.constant 1 : i32
        %parallel_loop3A_225 = arith.index_cast %parallel_loop3A_224 : i32 to index
        %parallel_loop3A_226 = arith.index_cast %parallel_loop3A_150 : i32 to index
        %parallel_loop3A_227 = arith.constant 48 : index
        %parallel_loop3A_228 = tpu.vector_load %arg7[%parallel_loop3A_225, %parallel_loop3A_226, %parallel_loop3A_227] {strides = array<i32>} : memref<2x128x64xf32, #tpu.memory_space<vmem>>, vector<1x1x16xf32>,
        %parallel_loop3A_229 = vector.shape_cast %parallel_loop3A_228 : vector<1x1x16xf32> to vector<16xf32>
        %parallel_loop3A_230 = vector.shape_cast %parallel_loop3A_223 : vector<16xf32> to vector<1x1x16xf32>
        tpu.vector_store %arg7[%parallel_loop3A_225, %parallel_loop3A_226, %parallel_loop3A_227], %parallel_loop3A_230 {strides = array<i32>} : memref<2x128x64xf32, #tpu.memory_space<vmem>>, vector<1x1x16xf32>,
      } {sc.loop_unroll_factor = 8 : i64, sc.parallel_access}
      %dma_start3A_128 = arith.constant 1 : i32
      %dma_start3A_129 = arith.constant 0 : i32
      %dma_start3A_130 = arith.constant 0 : i32
      %dma_start3A_131 = tpu.memref_slice %arg7[%dma_start3A_128, %dma_start3A_129, %dma_start3A_130] : memref<2x128x64xf32, #tpu.memory_space<vmem>> -> memref<1x128x64xf32, #tpu.memory_space<vmem>>
      %dma_start3A_132 = tpu.memref_squeeze %dma_start3A_131 : memref<1x128x64xf32, #tpu.memory_space<vmem>> -> memref<128x64xf32, #tpu.memory_space<vmem>>
      %dma_start3A_133 = arith.constant 0 : i32
      %dma_start3A_134 = arith.constant 0 : i32
      %dma_start3A_135 = tpu.memref_slice %arg4[%add3A, %add3A_108, %dma_start3A_133, %dma_start3A_134] : memref<32x200x128x64xf32, #tpu.memory_space<hbm>> -> memref<1x1x128x64xf32, #tpu.memory_space<hbm>>
      %dma_start3A_136 = tpu.memref_squeeze %dma_start3A_135 : memref<1x1x128x64xf32, #tpu.memory_space<hbm>> -> memref<128x64xf32, #tpu.memory_space<hbm>>
      %dma_start3A_137 = arith.constant 0 : i32
      %dma_start3A_138 = arith.constant 0 : i32
      %dma_start3A_139 = tpu.memref_slice %arg4[%add3A, %add3A_108, %dma_start3A_137, %dma_start3A_138] : memref<32x200x128x64xf32, #tpu.memory_space<hbm>> -> memref<1x1x128x64xf32, #tpu.memory_space<hbm>>
      %dma_start3A_140 = tpu.memref_squeeze %dma_start3A_139 : memref<1x1x128x64xf32, #tpu.memory_space<hbm>> -> memref<128x64xf32, #tpu.memory_space<hbm>>
      %dma_start3A_141 = arith.constant 0 : i32
      %dma_start3A_142 = arith.constant 0 : i32
      %dma_start3A_143 = tpu.memref_slice %arg7[%dma_start3A_128, %dma_start3A_141, %dma_start3A_142] : memref<2x128x64xf32, #tpu.memory_space<vmem>> -> memref<1x128x64xf32, #tpu.memory_space<vmem>>
      %dma_start3A_144 = tpu.memref_squeeze %dma_start3A_143 : memref<1x128x64xf32, #tpu.memory_space<vmem>> -> memref<128x64xf32, #tpu.memory_space<vmem>>
      tpu.enqueue_dma source(%dma_start3A_144 : memref<128x64xf32, #tpu.memory_space<vmem>>) target(%dma_start3A_140 : memref<128x64xf32, #tpu.memory_space<hbm>>) target_semaphore(%arg9 : memref<!tpu.dma_semaphore, #tpu.memory_space<semaphore_mem>>)
      %lt3A_145 = arith.constant 99 : i32
      %lt3A_146 = arith.cmpi slt, %scan3A_64, %lt3A_145 : i32
      %convert_element_type3A_147 = arith.extui %lt3A_146 : i1 to i32
      %cond3A_148 = arith.constant 0 : i32
      %cond3A_149 = arith.cmpi ne, %convert_element_type3A_147, %cond3A_148 : i32
      scf.if %cond3A_149 {
        %add3A_150 = arith.constant 2 : i32
        %add3A_151 = arith.addi %add3A_108, %add3A_150 : i32
        %dma_start3A_152 = arith.constant 1 : i32
        %dma_start3A_153 = arith.constant 0 : i32
        %dma_start3A_154 = arith.constant 0 : i32
        %dma_start3A_155 = tpu.memref_slice %arg6[%dma_start3A_152, %dma_start3A_153, %dma_start3A_154] : memref<2x128x128xf32, #tpu.memory_space<vmem>> -> memref<1x128x128xf32, #tpu.memory_space<vmem>>
        %dma_start3A_156 = tpu.memref_squeeze %dma_start3A_155 : memref<1x128x128xf32, #tpu.memory_space<vmem>> -> memref<128x128xf32, #tpu.memory_space<vmem>>
        %dma_start3A_157 = arith.constant 0 : i32
        %dma_start3A_158 = tpu.memref_slice %arg5[%add3A_151, %dma_start3A_157] : memref<200x128xi32, #tpu.memory_space<vmem>> -> memref<1x128xi32, #tpu.memory_space<vmem>>
        %dma_start3A_159 = tpu.memref_squeeze %dma_start3A_158 : memref<1x128xi32, #tpu.memory_space<vmem>> -> memref<128xi32, #tpu.memory_space<vmem>>
        %dma_start3A_160 = arith.constant 0 : i32
        %dma_start3A_161 = arith.constant 0 : i32
        %dma_start3A_162 = tpu.memref_slice %arg2[%dma_start3A_160, %dma_start3A_161] : memref<100000x128xf32, #tpu.memory_space<hbm>> -> memref<100000x128xf32, #tpu.memory_space<hbm>>
        tpu.enqueue_indirect_dma source(%dma_start3A_162 : memref<100000x128xf32, #tpu.memory_space<hbm>>) target(%dma_start3A_156 : memref<128x128xf32, #tpu.memory_space<vmem>>) offsets(%dma_start3A_159 : memref<128xi32, #tpu.memory_space<vmem>>) semaphore(%arg8 : memref<!tpu.dma_semaphore, #tpu.memory_space<semaphore_mem>>)
      } else {
      }
    }
    %scan3A_28 = arith.constant 100 : i32
    %dma_wait3A = arith.constant 0 : i32
    %dma_wait3A_29 = arith.constant 198 : i32
    %dma_wait3A_30 = arith.constant 0 : i32
    %dma_wait3A_31 = arith.constant 0 : i32
    %dma_wait3A_32 = tpu.memref_slice %arg7[%dma_wait3A, %dma_wait3A_30, %dma_wait3A_31] : memref<2x128x64xf32, #tpu.memory_space<vmem>> -> memref<1x128x64xf32, #tpu.memory_space<vmem>>
    %dma_wait3A_33 = tpu.memref_squeeze %dma_wait3A_32 : memref<1x128x64xf32, #tpu.memory_space<vmem>> -> memref<128x64xf32, #tpu.memory_space<vmem>>
    %dma_wait3A_34 = arith.constant 0 : i32
    %dma_wait3A_35 = arith.constant 0 : i32
    %dma_wait3A_36 = tpu.memref_slice %arg4[%add3A, %dma_wait3A_29, %dma_wait3A_34, %dma_wait3A_35] : memref<32x200x128x64xf32, #tpu.memory_space<hbm>> -> memref<1x1x128x64xf32, #tpu.memory_space<hbm>>
    %dma_wait3A_37 = tpu.memref_squeeze %dma_wait3A_36 : memref<1x1x128x64xf32, #tpu.memory_space<hbm>> -> memref<128x64xf32, #tpu.memory_space<hbm>>
    %dma_wait3A_38 = arith.constant 0 : i32
    %dma_wait3A_39 = arith.constant 0 : i32
    %dma_wait3A_40 = tpu.memref_slice %arg4[%add3A, %dma_wait3A_29, %dma_wait3A_38, %dma_wait3A_39] : memref<32x200x128x64xf32, #tpu.memory_space<hbm>> -> memref<1x1x128x64xf32, #tpu.memory_space<hbm>>
    %dma_wait3A_41 = tpu.memref_squeeze %dma_wait3A_40 : memref<1x1x128x64xf32, #tpu.memory_space<hbm>> -> memref<128x64xf32, #tpu.memory_space<hbm>>
    %dma_wait3A_42 = arith.constant 0 : i32
    %dma_wait3A_43 = arith.constant 0 : i32
    %dma_wait3A_44 = tpu.memref_slice %arg7[%dma_wait3A, %dma_wait3A_42, %dma_wait3A_43] : memref<2x128x64xf32, #tpu.memory_space<vmem>> -> memref<1x128x64xf32, #tpu.memory_space<vmem>>
    %dma_wait3A_45 = tpu.memref_squeeze %dma_wait3A_44 : memref<1x128x64xf32, #tpu.memory_space<vmem>> -> memref<128x64xf32, #tpu.memory_space<vmem>>
    tpu.wait_dma2 semaphore(%arg9 : memref<!tpu.dma_semaphore, #tpu.memory_space<semaphore_mem>>) src(%dma_wait3A_45 : memref<128x64xf32, #tpu.memory_space<vmem>>) dst(%dma_wait3A_41 : memref<128x64xf32, #tpu.memory_space<hbm>>)
    %dma_wait3A_46 = arith.constant 1 : i32
    %dma_wait3A_47 = arith.constant 199 : i32
    %dma_wait3A_48 = arith.constant 0 : i32
    %dma_wait3A_49 = arith.constant 0 : i32
    %dma_wait3A_50 = tpu.memref_slice %arg7[%dma_wait3A_46, %dma_wait3A_48, %dma_wait3A_49] : memref<2x128x64xf32, #tpu.memory_space<vmem>> -> memref<1x128x64xf32, #tpu.memory_space<vmem>>
    %dma_wait3A_51 = tpu.memref_squeeze %dma_wait3A_50 : memref<1x128x64xf32, #tpu.memory_space<vmem>> -> memref<128x64xf32, #tpu.memory_space<vmem>>
    %dma_wait3A_52 = arith.constant 0 : i32
    %dma_wait3A_53 = arith.constant 0 : i32
    %dma_wait3A_54 = tpu.memref_slice %arg4[%add3A, %dma_wait3A_47, %dma_wait3A_52, %dma_wait3A_53] : memref<32x200x128x64xf32, #tpu.memory_space<hbm>> -> memref<1x1x128x64xf32, #tpu.memory_space<hbm>>
    %dma_wait3A_55 = tpu.memref_squeeze %dma_wait3A_54 : memref<1x1x128x64xf32, #tpu.memory_space<hbm>> -> memref<128x64xf32, #tpu.memory_space<hbm>>
    %dma_wait3A_56 = arith.constant 0 : i32
    %dma_wait3A_57 = arith.constant 0 : i32
    %dma_wait3A_58 = tpu.memref_slice %arg4[%add3A, %dma_wait3A_47, %dma_wait3A_56, %dma_wait3A_57] : memref<32x200x128x64xf32, #tpu.memory_space<hbm>> -> memref<1x1x128x64xf32, #tpu.memory_space<hbm>>
    %dma_wait3A_59 = tpu.memref_squeeze %dma_wait3A_58 : memref<1x1x128x64xf32, #tpu.memory_space<hbm>> -> memref<128x64xf32, #tpu.memory_space<hbm>>
    %dma_wait3A_60 = arith.constant 0 : i32
    %dma_wait3A_61 = arith.constant 0 : i32
    %dma_wait3A_62 = tpu.memref_slice %arg7[%dma_wait3A_46, %dma_wait3A_60, %dma_wait3A_61] : memref<2x128x64xf32, #tpu.memory_space<vmem>> -> memref<1x128x64xf32, #tpu.memory_space<vmem>>
    %dma_wait3A_63 = tpu.memref_squeeze %dma_wait3A_62 : memref<1x128x64xf32, #tpu.memory_space<vmem>> -> memref<128x64xf32, #tpu.memory_space<vmem>>
    tpu.wait_dma2 semaphore(%arg9 : memref<!tpu.dma_semaphore, #tpu.memory_space<semaphore_mem>>) src(%dma_wait3A_63 : memref<128x64xf32, #tpu.memory_space<vmem>>) dst(%dma_wait3A_59 : memref<128x64xf32, #tpu.memory_space<hbm>>)
    return
  }
}

</mosaic_0001>

<sc_bundles>
// kernel: kernel.3.cloned.1.call-start
scs
__scs_entry_jumppad:
0x0: {  	(pc) =	sbr.rel $0x88, $3  }
0x1: {  	(tag) =	ssettag $0x0;
	lr =	simm.s32 $0x1  }
0x2: {  	[smem:$0x3F9E] =	sst lr;
	_ =	strace $0xD0000000  }
0x3: {  	_ = 	snop  }
0x4: {  	_ = 	snop  }
0x5: {  	_ = 	snop  }
0x6: {  	_ = 	snop  }
0x7: {  	_ = 	snop  }
__scs_overlays_trampoline_lowered:
0x8: {  	[smem:$0x3FAD] =	sst s0  }
0x9: {  	[smem:$0x3FAE] =	sst s1  }
0xa: {  	[smem:$0x3FAF] =	sst s2  }
0xb: {  	[smem:$0x3FB0] =	sst s3  }
0xc: {  	[smem:$0x3FB1] =	sst s4  }
0xd: {  	[smem:$0x3FB2] =	sst s5  }
0xe: {  	[smem:$0x3FB3] =	sst s6  }
0xf: {  	[smem:$0x3FB4] =	sst s7  }
0x10: {  	[smem:$0x3FB5] =	sst s8  }
0x11: {  	[smem:$0x3FB6] =	sst s9;
	s0 =	simm.s32 @!p0 $0x0  }
0x12: {  	s1 =	sld [smem:$0x3F9C];
	s0 =	simm.s32 @p0 $0x1  }
0x13: {  	[smem:$0x3FB7] =	sst s0;
	s0 =	simm.s32 @!p1 $0x0  }
0x14: {  	s2 =	sld [smem:$0x3F9B];
	s0 =	simm.s32 @p1 $0x1  }
0x15: {  	[smem:$0x3FB8] =	sst s0;
	s0 =	simm.s32 @!p2 $0x0  }
0x16: {  	s3 =	sld [smem:$0x3FDB];
	s0 =	simm.s32 @p2 $0x1  }
0x17: {  	s4 =	simm.s32 $0x1BF5;
	[smem:$0x3FBA] =	sst s0  }
0x18: {  	s0 =	sld [smem:$0x3F9D];
	_ =	swait.ge [sflag:s4], $0x0  }
0x19: {  	s7 =	sld [smem:$0x3F9E]  }
0x1a: {  	s8 =	sadd.s32 $0xFFFFE003, lr  }
0x1b: {  	s9 =	sadd.s32 $0xFFFFFEF7, lr;
	s5 =	simm.s32 $0xFFFFFFFF;
	p2 =	slt.u32 s8, $0xFFFFF086  }
0x1c: {  	p1 =	slt.u32 s9, $0xF7A;
	s5 =	simm.s32 @!p2 $0x0  }
0x1d: {  	s5 =	simm.s32 @p1 $0x1;
	p0 =	seq.s32 s7, s2  }
0x1e: {  	s7 =	smul.u32 @!p0 $0xF7A, s2;
	p2 =	seq.s32 @!p0 s5, $0x0  }
0x1f: {  	s9 =	smul.u32 $0xF7A, s1;
	s8 =	simm.s32 @!p0 $0x1BF5;
	p2 =	por !p2, p0  }
0x20: {  	[sflag:s8] =	ssyncset.s32 @!p0 $0xFFFFF086;
	s6 =	sadd.s32 @!p0 s3, s7;
	s7 =	simm.s32 @!p0 $0x108  }
0x21: {  	s3 =	sadd.s32 s3, s9;
	s6 =	sadd.s32 @!p0 $0x88, s6;
	s7 =	simm.s32 @p2 $0x1082  }
0x22: {  	[simem:s7], [sflag:s8] =	dma.local @!p0 [hbm:s6], $0xF7A  }
0x23: {  	s9 =	sor.u32 $0xD0000000, s2;
	s6 =	simm.s32 $0x108;
	_ =	swait.ge @!p0 [sflag:s8], $0x0  }
0x24: {  	s3 =	sadd.s32 $0x88, s3;
	s6 =	simm.s32 @!p1 $0x1082;
	[sflag:s4] =	ssyncset.s32 $0xFFFFF086  }
0x25: {  	[simem:s6], [sflag:s4] =	dma.local [hbm:s3], $0xF7A  }
0x26: {  	[smem:$0x3F9E] =	sst s1;
	(tag) =	ssettag s2;
	_ =	strace s9  }
0x27: {  	s1 =	sld [smem:$0x3FAE]  }
0x28: {  	s2 =	sld [smem:$0x3FAF]  }
0x29: {  	s4 =	sld [smem:$0x3FB1]  }
0x2a: {  	p0 =	seq.s32 s5, $0x0;
	s5 =	sld [smem:$0x3FB2]  }
0x2b: {  	s6 =	sld [smem:$0x3FB3]  }
0x2c: {  	s7 =	sld [smem:$0x3FB4]  }
0x2d: {  	s3 =	simm.s32 $0x108;
	s8 =	sld [smem:$0x3FB5]  }
0x2e: {  	s3 =	simm.s32 @!p0 $0x1082;
	s9 =	sld [smem:$0x3FB6]  }
0x2f: {  	lr =	sadd.s32 s0, s3;
	s0 =	sld [smem:$0x3FAD]  }
0x30: {  	s3 =	sld [smem:$0x3FB0]  }
0x31: {  	[smem:$0x3FB9] =	sst s10  }
0x32: {  	s10 =	sld [smem:$0x3FB7];
	_ =	sdelay $0x3  }
0x33: {  	p0 =	seq.s32 s10, $0x1;
	s10 =	sld [smem:$0x3FB9];
	_ =	sdelay $0x3  }
0x34: {  	[smem:$0x3FB9] =	sst s10  }
0x35: {  	s10 =	sld [smem:$0x3FB8];
	_ =	sdelay $0x3  }
0x36: {  	p1 =	seq.s32 s10, $0x1;
	s10 =	sld [smem:$0x3FB9];
	_ =	sdelay $0x3  }
0x37: {  	[smem:$0x3FB9] =	sst s10  }
0x38: {  	s10 =	sld [smem:$0x3FBA]  }
0x39: {  	_ = 	snop;
	(pc) =	sbr.ind lr, $3  }
0x3a: {  	_ = 	snop  }
0x3b: {  	_ = 	snop  }
0x3c: {  	p2 =	seq.s32 s10, $0x1;
	s10 =	sld [smem:$0x3FB9]  }
0x3d: {  	_ =	shalt  }
0x3e: {  	_ =	shalt  }
0x3f: {  	_ =	shalt  }
0x40: {  	_ =	shalt  }
0x41: {  	_ =	shalt  }
0x42: {  	_ =	shalt  }
0x43: {  	_ =	shalt  }
0x44: {  	_ =	shalt  }
0x45: {  	_ =	shalt  }
0x46: {  	_ =	shalt  }
0x47: {  	_ =	shalt  }
0x48: {  	_ =	shalt  }
0x49: {  	_ =	shalt  }
0x4a: {  	_ =	shalt  }
0x4b: {  	_ =	shalt  }
0x4c: {  	_ =	shalt  }
0x4d: {  	_ =	shalt  }
0x4e: {  	_ =	shalt  }
0x4f: {  	_ =	shalt  }
0x50: {  	_ =	shalt  }
0x51: {  	_ =	shalt  }
0x52: {  	_ =	shalt  }
0x53: {  	_ =	shalt  }
0x54: {  	_ =	shalt  }
0x55: {  	_ =	shalt  }
0x56: {  	_ =	shalt  }
0x57: {  	_ =	shalt  }
0x58: {  	_ =	shalt  }
0x59: {  	_ =	shalt  }
0x5a: {  	_ =	shalt  }
0x5b: {  	_ =	shalt  }
0x5c: {  	_ =	shalt  }
0x5d: {  	_ =	shalt  }
0x5e: {  	_ =	shalt  }
0x5f: {  	_ =	shalt  }
0x60: {  	_ =	shalt  }
0x61: {  	_ =	shalt  }
0x62: {  	_ =	shalt  }
0x63: {  	_ =	shalt  }
0x64: {  	_ =	shalt  }
0x65: {  	_ =	shalt  }
0x66: {  	_ =	shalt  }
0x67: {  	_ =	shalt  }
0x68: {  	_ =	shalt  }
0x69: {  	_ =	shalt  }
0x6a: {  	_ =	shalt  }
0x6b: {  	_ =	shalt  }
0x6c: {  	_ =	shalt  }
0x6d: {  	_ =	shalt  }
0x6e: {  	_ =	shalt  }
0x6f: {  	_ =	shalt  }
0x70: {  	_ =	shalt  }
0x71: {  	_ =	shalt  }
0x72: {  	_ =	shalt  }
0x73: {  	_ =	shalt  }
0x74: {  	_ =	shalt  }
0x75: {  	_ =	shalt  }
0x76: {  	_ =	shalt  }
0x77: {  	_ =	shalt  }
0x78: {  	_ =	shalt  }
0x79: {  	_ =	shalt  }
0x7a: {  	_ =	shalt  }
0x7b: {  	_ =	shalt  }
0x7c: {  	_ =	shalt  }
0x7d: {  	_ =	shalt  }
0x7e: {  	_ =	shalt  }
0x7f: {  	_ =	shalt  }
0x80: {  	_ =	shalt  }
0x81: {  	_ =	shalt  }
0x82: {  	_ =	shalt  }
0x83: {  	_ =	shalt  }
0x84: {  	_ =	shalt  }
0x85: {  	_ =	shalt  }
0x86: {  	_ =	shalt  }
0x87: {  	_ =	shalt  }
.Lfunc_end0:
.L_simem_size_0:
called_computation.1_lowered:
.L_overlay_start_0:
0x88: {  	s2 =	sld [smem:$0x3FD9]  }
0x89: {  	s3 =	sld [smem:$0x3FFE];
	_ =	sdelay $0x1  }
0x8a: {  	s1 =	srdreg.scid  }
0x8b: {  	s0 =	sand.u32 $0x1, s1  }
0x8c: {  	s16 =	sshll.u32 s0, $0xA;
	s2 =	sadd.s32 s3, s2  }
0x8d: {  	s2 =	sadd.s32 s2, s16  }
0x8e: {  	[smem:$0x3FC5] =	sst s2  }
0x8f: {  	_ = 	snop  }
0x90: {  	(tm) =	ssettm $0x1  }
0x91: {  	s17 =	sld [smem:$0x3FFB];
	_ =	sdelay $0x3  }
0x92: {  	_ =	strace s17  }
0x93: {  	s2 =	sld [smem:$0x3FFC];
	_ =	sdelay $0x3  }
0x94: {  	_ =	strace s2  }
0x95: {  	s2 =	sld [smem:$0x3FFD];
	_ =	sdelay $0x3  }
0x96: {  	_ =	strace s2  }
0x97: {  	_ =	strace $0x8FFFFFFF  }
0x98: {  	s18 =	sld [smem:$0x3FDB];
	_ =	sdelay $0x1  }
0x99: {  	s19 =	simm.s32 $_scs_section_size  }
0x9a: {  	s4 =	simm.s32 $_size__tile_overlayer_lowered;
	s5 =	simm.s32 $_tile_overlayer_lowered  }
0x9b: {  	s22 =	simm.s32 $0x1BFF;
	s21 =	sshll.u32 s5, $0x1;
	s2 =	sadd.s32 s19, s18  }
0x9c: {  	s6 =	simm.s32 $0x0;
	s20 =	sshll.u32 s4, $0x1;
	s4 =	sadd.s32 s21, s2  }
0x9d: {  	[timem:s6], [sflag:s22] =	dma.local [hbm:s4], s20  }
0x9e: {  	_ =	swait.ge [sflag:s22], s20  }
0x9f: {  	s3 =	ssub.s32 $0x0, s20;
	[sflag:s22] =	ssyncset.done $0x0  }
0xa0: {  	[sflag:s22] =	ssyncadd.s32 s3;
	_ =	sdelay $0x1  }
0xa1: {  	s23 =	simm.s32 $0x1B8B  }
0xa2: {  	_ =	swait.ge [sflag:s23], $0x1  }
0xa3: {  	[sflag:s23] =	ssyncset.done $0x0  }
0xa4: {  	s25 =	simm.s32 $0x1B8E;
	s24 =	sld [smem:$0x3FFE];
	[sflag:s23] =	ssyncadd.s32 $0xFFFFFFFF  }
0xa5: {  	s26 =	simm.s32 $execute0_lowered;
	[smem:$0x3FD2] =	sst s25  }
0xa6: {  	s4 =	sshll.u32 s26, $0x1;
	_ =	strace $0x80000046;
	[dreg:$0x1] =	wrdreg $0xFFFFFFFF  }
0xa7: {  	s28 =	simm.s32 $_size_execute0_lowered;
	s2 =	sadd.s32 s2, s4;
	[dreg:$0x0] =	wrdreg $0x0  }
0xa8: {  	s4 =	sshll.u32 s28, $0x1;
	[dreg:$0x2] =	wrdreg s2  }
0xa9: {  	[dreg:$0x3] =	wrdreg s4  }
0xaa: {  	[dreg:$0x4] =	wrdreg $0xC0  }
0xab: {  	_ =	task [dreg:s6], $0x5FFFF  }
0xac: {  	[dreg:$0x1] =	wrdreg $0xFFFFFFFF  }
0xad: {  	[dreg:$0x0] =	wrdreg $0x60  }
0xae: {  	[dreg:$0x2] =	wrdreg s24  }
0xaf: {  	[dreg:$0x3] =	wrdreg $0x9  }
0xb0: {  	_ =	task.clear_ibuf [dreg:s6], $0x4FFFF;
	_ =	strace $0x90000046  }
0xb1: {  	s29 =	simm.s32 $0x9;
	_ =	strace $0x80000048  }
0xb2: {  	_ =	swait.ge [sflag:s29], $0x1  }
0xb3: {  	[sflag:s29] =	ssyncadd.s32 $0xFFFFFFFF  }
0xb4: {  	_ =	strace $0x90000048  }
0xb5: {  	_ =	sfence  }
0xb6: {  	s30 =	sld [smem:$0x0];
	_ =	sdelay $0x2  }
0xb7: {  	s31 =	sshll.u32 s1, $0xD;
	s1 =	sshrl.u32 s1, $0x2  }
0xb8: {  	s3 =	sand.u32 $0x4000, s31;
	s1 =	sadd.s32 s1, s30  }
0xb9: {  	s0 =	sor.u32 s3, s0;
	s1 =	sshll.u32 s1, $0x11  }
0xba: {  	s0 =	sor.u32 s1, s0  }
0xbb: {  	s0 =	sadd.s32 $0x8F2B, s0  }
0xbc: {  	[sflag:s0] =	ssyncadd.remote.s32 $0x1  }
0xbd: {  	_ =	sfence.sel $0xFFFF  }
0xbe: {  	[dreg:$0x0] =	wrdreg $0xFFFFFFFF;
	(pc) =	sbr.abs _section_cstart, $3  }
0xbf: {  	[dreg:$0x1] =	wrdreg $0xFFFFFFFF  }
0xc0: {  	_ =	task.clear_ibuf [dreg:s6], $0x2FFFF;
	_ =	strace $0x9FFFFFFF  }
0xc1: {  	(tm) =	ssettm $0x7FFFFFFF  }
tec
execute0_lowered:
.L_overlay_start_1:
0x0: {  	(tag) =	ssettag $0x1  }
0x1: {  	s5 =	rddreg [dreg:$0x0]  }
0x2: {  	s0 =	rddreg [dreg:$0x1]  }
0x3: {  	s3 =	srdreg.scid;
	s1 =	stileid.u32  }
0x4: {  	s2 =	simm.s32 $0x0;
	s9 =	simm.s32 $0x3;
	s10 =	simm.s32 $0x80  }
0x5: {  	s11 =	simm.s32 $0x6400;
	s12 =	simm.s32 $0xA400;
	s13 =	simm.s32 $0x1  }
0x6: {  	s14 =	simm.s32 $0xE400;
	s15 =	simm.s32 $0x2;
	s16 =	simm.s32 $0x12400  }
0x7: {  	s17 =	simm.s32 $0x0;
	s3 =	sand.u32 $0x1, s3;
	s4 =	sshll.u32 s1, $0x1  }
.Ltmp0:
0x8: {  	[smem:$0x7FF] =	sst s2;
	s4 =	sor.u32 s3, s4;
	(pc) =	sbr.rel .LBB2_1-.Ltmp0, $4  }
0x9: {  	_ =	strace $0x80000047;
	s7 =	ssub.s32 $0x2, s3;
	s6 =	smul.u32 $0xC80, s4  }
0xa: {  	s3 =	sadd.s32 $0x1A1E00, s5;
	s8 =	sshrl.u32 s7, $0x1;
	s4 =	smul.u32 $0x320000, s4  }
0xb: {  	s8 =	ssub.s32 s7, s8;
	s6 =	sadd.s32 s6, s5;
	s5 =	sadd.s32 $0x328800, s5  }
0xc: {  	s7 =	sor.u32 $0x4000, s4;
	s8 =	smax.u32 s8, $0x1;
	s6 =	sadd.s32 $0x2400, s6  }
.LBB2_12:
0xd: {  	s17 =	sadd.s32 $0x1, s17  }
0xe: {  	_ =	swait.ge [sflag:s15], $0x4000;
	p0 =	sne.s32 s17, s8  }
.Ltmp1:
0xf: {  	[sflag:s15] =	ssyncset.done $0x0;
	(pc) =	sbr.rel @!p0 .LBB2_13-.Ltmp1, $4  }
0x10: {  	[sflag:s15] =	ssyncadd.s32 $0xFFFFC000  }
0x11: {  	_ =	swait.ge [sflag:s15], $0x4000  }
0x12: {  	[sflag:s15] =	ssyncset.done $0x0  }
0x13: {  	[sflag:s15] =	ssyncadd.s32 $0xFFFFC000  }
.LBB2_1:
0x14: {  	[tilespmem:s2], [sflag:$0x3] =	stream.linear.gather [hbm4b:s6+s2], $0x6400, $0x38;
	[tilespmem:$0x16400] =	vst v63  }
0x15: {  	_ =	swait.ge [sflag:s9], $0x6400  }
0x16: {  	[sflag:s9] =	ssyncset.done $0x0  }
0x17: {  	[sflag:s9] =	ssyncadd.s32 $0xFFFF9C00  }
0x18: {  	[tilespmem:s11], [sflag:$0x1] =	stream.indirect.gather [hbm4b:s3+s10], $0x80, s2, s10, $0xb8;
	[tilespmem:$0x16400] =	vst v63  }
0x19: {  	s18 =	simm.s32 $0x0  }
0x1a: {  	[tilespmem:s12], [sflag:$0x1] =	stream.indirect.gather [hbm4b:s3+s10], $0x80, s10, s10, $0xb8;
	[tilespmem:$0x16400] =	vst v63  }
.LBB2_2:
0x1b: {  	_ =	swait.ge [sflag:s13], $0x4000  }
0x1c: {  	p0 =	seq.s32 s18, $0x0;
	[sflag:s13] =	ssyncset.done $0x0  }
0x1d: {  	s19 =	simm.s32 @!p0 $0x2;
	[sflag:s13] =	ssyncadd.s32 $0xFFFFC000  }
0x1e: {  	_ =	swait.ge @!p0 [sflag:s19], $0x4000  }
0x1f: {  	[sflag:s19] =	ssyncset.done @!p0 $0x0  }
0x20: {  	s21 =	simm.s32 $0x6600;
	[sflag:s19] =	ssyncadd.s32 @!p0 $0xFFFFC000  }
0x21: {  	v0 =	vld [tilespmem:s21+$0x180]  }
0x22: {  	v1 =	vld [tilespmem:s21+$0x1C0]  }
0x23: {  	v2 =	vld [tilespmem:s21+$0xFFFFFE40]  }
0x24: {  	v3 =	vld [tilespmem:s21+$0xFFFFFE80]  }
0x25: {  	v4 =	vld [tilespmem:s21+$0xFFFFFEC0]  }
0x26: {  	v5 =	vld [tilespmem:s21+$0xFFFFFF00]  }
0x27: {  	v6 =	vld [tilespmem:s21+$0xFFFFFF40]  }
0x28: {  	v7 =	vld [tilespmem:s21+$0xFFFFFFC0]  }
0x29: {  	v9 =	vld [tilespmem:s21+$0x0]  }
0x2a: {  	v10 =	vld [tilespmem:s21+$0x40]  }
0x2b: {  	v11 =	vld [tilespmem:s21+$0x80]  }
0x2c: {  	v12 =	vld [tilespmem:s21+$0xC0];
	v0 =	vadd.f32 v1, v0  }
0x2d: {  	s20 =	simm.s32 $0xE600;
	v1 =	vld [tilespmem:s21+$0xFFFFFF80]  }
0x2e: {  	v3 =	vadd.f32 v4, v3;
	v4 =	vld [tilespmem:s21+$0xFFFFFE00];
	[tilespmem:s20+$0x180] =	vst v0  }
0x2f: {  	v0 =	vld [tilespmem:s21+$0x190]  }
0x30: {  	v8 =	vld [tilespmem:s21+$0x1D0]  }
0x31: {  	v13 =	vld [tilespmem:s21+$0x100];
	[tilespmem:s20+$0xFFFFFE80] =	vst v3;
	v3 =	vadd.f32 v6, v5  }
0x32: {  	v6 =	vld [tilespmem:s21+$0xFFFFFE90]  }
0x33: {  	[tilespmem:s20+$0xFFFFFF00] =	vst v3;
	v3 =	vld [tilespmem:s21+$0xFFFFFED0];
	v1 =	vadd.f32 v7, v1  }
0x34: {  	v2 =	vadd.f32 v2, v4;
	v4 =	vld [tilespmem:s21+$0xFFFFFF10]  }
0x35: {  	[tilespmem:s20+$0xFFFFFF80] =	vst v1;
	v1 =	vld [tilespmem:s21+$0xFFFFFF50];
	v0 =	vadd.f32 v8, v0  }
0x36: {  	[tilespmem:s20+$0xFFFFFE00] =	vst v2;
	v2 =	vld [tilespmem:s21+$0xFFFFFF90]  }
0x37: {  	v54 =	vld [tilespmem:s21+$0xFFFFFFD0];
	[tilespmem:s20+$0x190] =	vst v0  }
0x38: {  	v3 =	vadd.f32 v3, v6;
	v0 =	vld [tilespmem:s21+$0x1A0]  }
0x39: {  	v5 =	vld [tilespmem:s21+$0x1E0]  }
0x3a: {  	v8 =	vld [tilespmem:s21+$0x140];
	[tilespmem:s20+$0xFFFFFE90] =	vst v3;
	v1 =	vadd.f32 v1, v4  }
0x3b: {  	v4 =	vld [tilespmem:s21+$0xFFFFFEA0]  }
0x3c: {  	[tilespmem:s20+$0xFFFFFF10] =	vst v1;
	v1 =	vadd.f32 v54, v2;
	v2 =	vld [tilespmem:s21+$0xFFFFFEE0]  }
0x3d: {  	v7 =	vld [tilespmem:s21+$0xFFFFFE50]  }
0x3e: {  	v57 =	vld [tilespmem:s21+$0xFFFFFF20];
	v0 =	vadd.f32 v5, v0  }
0x3f: {  	v5 =	vld [tilespmem:s21+$0xFFFFFE10];
	[tilespmem:s20+$0xFFFFFF90] =	vst v1  }
0x40: {  	v58 =	vld [tilespmem:s21+$0xFFFFFFA0];
	[tilespmem:s20+$0x1A0] =	vst v0;
	v0 =	vadd.f32 v10, v9  }
0x41: {  	v52 =	vld [tilespmem:s21+$0x1B0];
	v2 =	vadd.f32 v2, v4  }
0x42: {  	v53 =	vld [tilespmem:s21+$0x1F0];
	[tilespmem:s20+$0x0] =	vst v0;
	v0 =	vadd.f32 v12, v11  }
0x43: {  	v55 =	vld [tilespmem:s21+$0x10];
	[tilespmem:s20+$0xFFFFFEA0] =	vst v2  }
0x44: {  	[tilespmem:s20+$0x80] =	vst v0;
	v0 =	vadd.f32 v8, v13;
	v8 =	vld [tilespmem:s21+$0x50]  }
0x45: {  	v60 =	vld [tilespmem:s21+$0xFFFFFEB0]  }
0x46: {  	v56 =	vld [tilespmem:s21+$0x90]  }
0x47: {  	[tilespmem:s20+$0x100] =	vst v0;
	v0 =	vadd.f32 v7, v5;
	v5 =	vld [tilespmem:s21+$0xD0]  }
0x48: {  	v7 =	vld [tilespmem:s21+$0x110]  }
0x49: {  	[tilespmem:s20+$0xFFFFFE10] =	vst v0;
	v0 =	vld [tilespmem:s21+$0x150]  }
0x4a: {  	v6 =	vld [tilespmem:s21+$0xFFFFFE20]  }
0x4b: {  	v3 =	vld [tilespmem:s21+$0xFFFFFE60];
	v1 =	vadd.f32 v8, v55  }
0x4c: {  	v8 =	vld [tilespmem:s21+$0xFFFFFF60]  }
0x4d: {  	[tilespmem:s20+$0x10] =	vst v1;
	v1 =	vadd.f32 v5, v56;
	v5 =	vld [tilespmem:s21+$0xFFFFFFE0]  }
0x4e: {  	v59 =	vld [tilespmem:s21+$0x20]  }
0x4f: {  	[tilespmem:s20+$0x90] =	vst v1;
	v0 =	vadd.f32 v0, v7;
	v1 =	vld [tilespmem:s21+$0x60]  }
0x50: {  	v7 =	vld [tilespmem:s21+$0xA0]  }
0x51: {  	v3 =	vadd.f32 v3, v6;
	[tilespmem:s20+$0x110] =	vst v0;
	v0 =	vld [tilespmem:s21+$0xE0]  }
0x52: {  	v2 =	vadd.f32 v8, v57;
	v6 =	vld [tilespmem:s21+$0x120]  }
0x53: {  	[tilespmem:s20+$0xFFFFFE20] =	vst v3;
	v3 =	vld [tilespmem:s21+$0x160]  }
0x54: {  	[tilespmem:s20+$0xFFFFFF20] =	vst v2;
	v2 =	vadd.f32 v5, v58;
	v5 =	vld [tilespmem:s21+$0xFFFFFEF0]  }
0x55: {  	v4 =	vld [tilespmem:s21+$0xFFFFFE30]  }
0x56: {  	v8 =	vld [tilespmem:s21+$0xFFFFFE70]  }
0x57: {  	v61 =	vld [tilespmem:s21+$0xFFFFFF30]  }
0x58: {  	v62 =	vld [tilespmem:s21+$0xFFFFFF70];
	[tilespmem:s20+$0xFFFFFFA0] =	vst v2;
	v1 =	vadd.f32 v1, v59  }
0x59: {  	v2 =	vadd.f32 v53, v52;
	v63 =	vld [tilespmem:s21+$0xFFFFFFB0]  }
0x5a: {  	[tilespmem:s20+$0x20] =	vst v1;
	v1 =	vadd.f32 v0, v7;
	v7 =	vld [tilespmem:s21+$0xFFFFFFF0]  }
0x5b: {  	[tilespmem:s20+$0x1B0] =	vst v2;
	v3 =	vadd.f32 v3, v6;
	v0 =	vld [tilespmem:s21+$0x30]  }
0x5c: {  	v2 =	vld [tilespmem:s21+$0x70];
	[tilespmem:s20+$0xA0] =	vst v1;
	v4 =	vadd.f32 v8, v4  }
0x5d: {  	[tilespmem:s20+$0x120] =	vst v3;
	v3 =	vadd.f32 v5, v60;
	v1 =	vld [tilespmem:s21+$0xB0]  }
0x5e: {  	v5 =	vadd.f32 v62, v61;
	[tilespmem:s20+$0xFFFFFE30] =	vst v4;
	v4 =	vld [tilespmem:s21+$0xF0]  }
0x5f: {  	[tilespmem:s20+$0xFFFFFEB0] =	vst v3;
	v3 =	vld [tilespmem:s21+$0x130];
	v6 =	vadd.f32 v7, v63  }
0x60: {  	s19 =	simm.s32 $0x0;
	[tilespmem:s20+$0xFFFFFF30] =	vst v5;
	v5 =	vld [tilespmem:s21+$0x170];
	s21 =	simm.s32 $0x6A00  }
.LBB2_3:
0x61: {  	v7 =	vld [tilespmem:s21+$0x180];
	[tilespmem:s20+$0xFFFFFFB0] =	vst v6;
	v0 =	vadd.f32 v2, v0  }
0x62: {  	v2 =	vld [tilespmem:s21+$0x1C0]  }
0x63: {  	v6 =	vld [tilespmem:s21+$0xFFFFFE40];
	[tilespmem:s20+$0x30] =	vst v0;
	v0 =	vadd.f32 v4, v1  }
0x64: {  	v1 =	vld [tilespmem:s21+$0xFFFFFE80]  }
0x65: {  	s19 =	sadd.s32 $0x8, s19;
	v4 =	vld [tilespmem:s21+$0xFFFFFEC0];
	[tilespmem:s20+$0xB0] =	vst v0;
	v0 =	vadd.f32 v5, v3  }
0x66: {  	p1 =	slt.u32 s19, $0x78;
	v3 =	vld [tilespmem:s21+$0xFFFFFF00]  }
0x67: {  	v5 =	vld [tilespmem:s21+$0xFFFFFF40];
	v2 =	vadd.f32 v2, v7;
	[tilespmem:s20+$0x130] =	vst v0  }
0x68: {  	s20 =	sadd.s32 $0x400, s20;
	v0 =	vld [tilespmem:s21+$0xFFFFFF80]  }
0x69: {  	v7 =	vld [tilespmem:s21+$0xFFFFFFC0];
	[tilespmem:s20+$0x180] =	vst v2  }
0x6a: {  	v1 =	vadd.f32 v4, v1;
	v2 =	vld [tilespmem:s21+$0x190]  }
0x6b: {  	v4 =	vld [tilespmem:s21+$0x1D0]  }
0x6c: {  	[tilespmem:s20+$0xFFFFFE80] =	vst v1;
	v1 =	vadd.f32 v5, v3;
	v3 =	vld [tilespmem:s21+$0x0]  }
0x6d: {  	v5 =	vld [tilespmem:s21+$0x40]  }
0x6e: {  	[tilespmem:s20+$0xFFFFFF00] =	vst v1;
	v0 =	vadd.f32 v7, v0;
	v1 =	vld [tilespmem:s21+$0x80]  }
0x6f: {  	v7 =	vld [tilespmem:s21+$0xC0]  }
0x70: {  	[tilespmem:s20+$0xFFFFFF80] =	vst v0;
	v0 =	vld [tilespmem:s21+$0x100];
	v2 =	vadd.f32 v4, v2  }
0x71: {  	v4 =	vld [tilespmem:s21+$0x140]  }
0x72: {  	v8 =	vld [tilespmem:s21+$0xFFFFFE00];
	v3 =	vadd.f32 v5, v3;
	[tilespmem:s20+$0x190] =	vst v2  }
0x73: {  	v2 =	vld [tilespmem:s21+$0x1A0]  }
0x74: {  	[tilespmem:s20+$0x0] =	vst v3;
	v1 =	vadd.f32 v7, v1;
	v3 =	vld [tilespmem:s21+$0x1E0]  }
0x75: {  	v5 =	vld [tilespmem:s21+$0xFFFFFE90]  }
0x76: {  	v7 =	vld [tilespmem:s21+$0xFFFFFED0];
	[tilespmem:s20+$0x80] =	vst v1;
	v0 =	vadd.f32 v4, v0  }
0x77: {  	v1 =	vadd.f32 v6, v8;
	v4 =	vld [tilespmem:s21+$0xFFFFFF10]  }
0x78: {  	v6 =	vld [tilespmem:s21+$0xFFFFFF50];
	[tilespmem:s20+$0x100] =	vst v0  }
0x79: {  	[tilespmem:s20+$0xFFFFFE00] =	vst v1;
	v0 =	vld [tilespmem:s21+$0xFFFFFF90];
	v1 =	vadd.f32 v3, v2  }
0x7a: {  	v2 =	vld [tilespmem:s21+$0xFFFFFE10]  }
0x7b: {  	v3 =	vld [tilespmem:s21+$0xFFFFFE50];
	v5 =	vadd.f32 v7, v5;
	[tilespmem:s20+$0x1A0] =	vst v1  }
0x7c: {  	v1 =	vld [tilespmem:s21+$0x1B0]  }
0x7d: {  	[tilespmem:s20+$0xFFFFFE90] =	vst v5;
	v4 =	vadd.f32 v6, v4;
	v5 =	vld [tilespmem:s21+$0x1F0]  }
0x7e: {  	v6 =	vld [tilespmem:s21+$0xFFFFFFD0]  }
0x7f: {  	[tilespmem:s20+$0xFFFFFF10] =	vst v4;
	v4 =	vld [tilespmem:s21+$0x10]  }
0x80: {  	v2 =	vadd.f32 v3, v2;
	v3 =	vld [tilespmem:s21+$0x50]  }
0x81: {  	v7 =	vld [tilespmem:s21+$0x90]  }
0x82: {  	[tilespmem:s20+$0xFFFFFE10] =	vst v2;
	v2 =	vld [tilespmem:s21+$0xD0];
	v1 =	vadd.f32 v5, v1  }
0x83: {  	v0 =	vadd.f32 v6, v0;
	v5 =	vld [tilespmem:s21+$0x110]  }
0x84: {  	v6 =	vld [tilespmem:s21+$0x150];
	[tilespmem:s20+$0x1B0] =	vst v1  }
0x85: {  	v1 =	vld [tilespmem:s21+$0xFFFFFE20];
	[tilespmem:s20+$0xFFFFFF90] =	vst v0;
	v0 =	vadd.f32 v3, v4  }
0x86: {  	v3 =	vld [tilespmem:s21+$0xFFFFFE60]  }
0x87: {  	v4 =	vld [tilespmem:s21+$0xFFFFFEA0];
	[tilespmem:s20+$0x10] =	vst v0;
	v0 =	vadd.f32 v2, v7  }
0x88: {  	v2 =	vld [tilespmem:s21+$0xFFFFFEE0]  }
0x89: {  	v7 =	vld [tilespmem:s21+$0xFFFFFF20];
	[tilespmem:s20+$0x90] =	vst v0;
	v0 =	vadd.f32 v6, v5  }
0x8a: {  	v5 =	vld [tilespmem:s21+$0xFFFFFF60]  }
0x8b: {  	v1 =	vadd.f32 v3, v1;
	v3 =	vld [tilespmem:s21+$0xFFFFFFA0];
	[tilespmem:s20+$0x110] =	vst v0  }
0x8c: {  	v0 =	vld [tilespmem:s21+$0xFFFFFFE0]  }
0x8d: {  	[tilespmem:s20+$0xFFFFFE20] =	vst v1;
	v1 =	vadd.f32 v2, v4;
	v2 =	vld [tilespmem:s21+$0x20]  }
0x8e: {  	v4 =	vld [tilespmem:s21+$0x60]  }
0x8f: {  	[tilespmem:s20+$0xFFFFFEA0] =	vst v1;
	v1 =	vadd.f32 v5, v7;
	v5 =	vld [tilespmem:s21+$0xA0]  }
0x90: {  	v6 =	vld [tilespmem:s21+$0xE0]  }
0x91: {  	[tilespmem:s20+$0xFFFFFF20] =	vst v1;
	v0 =	vadd.f32 v0, v3;
	v1 =	vld [tilespmem:s21+$0x120]  }
0x92: {  	v3 =	vld [tilespmem:s21+$0x160]  }
0x93: {  	v7 =	vld [tilespmem:s21+$0xFFFFFE30];
	[tilespmem:s20+$0xFFFFFFA0] =	vst v0;
	v0 =	vadd.f32 v4, v2  }
0x94: {  	v2 =	vld [tilespmem:s21+$0xFFFFFE70]  }
0x95: {  	v4 =	vld [tilespmem:s21+$0xFFFFFEB0];
	[tilespmem:s20+$0x20] =	vst v0;
	v0 =	vadd.f32 v6, v5  }
0x96: {  	v5 =	vld [tilespmem:s21+$0xFFFFFEF0]  }
0x97: {  	v6 =	vld [tilespmem:s21+$0xFFFFFF30];
	[tilespmem:s20+$0xA0] =	vst v0;
	v0 =	vadd.f32 v3, v1  }
0x98: {  	v1 =	vld [tilespmem:s21+$0xFFFFFF70]  }
0x99: {  	v2 =	vadd.f32 v2, v7;
	v3 =	vld [tilespmem:s21+$0xFFFFFFB0];
	[tilespmem:s20+$0x120] =	vst v0  }
0x9a: {  	v7 =	vld [tilespmem:s21+$0xFFFFFFF0]  }
0x9b: {  	[tilespmem:s20+$0xFFFFFE30] =	vst v2;
	v4 =	vadd.f32 v5, v4;
	v0 =	vld [tilespmem:s21+$0x30]  }
.Ltmp2:
0x9c: {  	v2 =	vld [tilespmem:s21+$0x70];
	(pc) =	sbr.rel @p1 .LBB2_3-.Ltmp2, $4  }
0x9d: {  	[tilespmem:s20+$0xFFFFFEB0] =	vst v4;
	v5 =	vadd.f32 v1, v6;
	v1 =	vld [tilespmem:s21+$0xB0]  }
0x9e: {  	v4 =	vld [tilespmem:s21+$0xF0]  }
0x9f: {  	[tilespmem:s20+$0xFFFFFF30] =	vst v5;
	v6 =	vadd.f32 v7, v3;
	v3 =	vld [tilespmem:s21+$0x130]  }
0xa0: {  	v5 =	vld [tilespmem:s21+$0x170];
	s21 =	sadd.s32 $0x400, s21  }
0xa1: {  	_ =	sdelay $0x1  }
0xa2: {  	v0 =	vadd.f32 v2, v0;
	p1 =	sne.s32 s18, $0x63  }
.Ltmp3:
0xa3: {  	[tilespmem:s20+$0xFFFFFFB0] =	vst v6;
	s19 =	sshll.u32 s18, $0xF;
	v1 =	vadd.f32 v4, v1;
	(pc) =	sbr.rel @p1 .LBB2_6-.Ltmp3, $4  }
0xa4: {  	s21 =	sadd.s32 s4, s19;
	[tilespmem:s20+$0x30] =	vst v0;
	v63 =	vadd.f32 v5, v3  }
0xa5: {  	s21 =	sshrl.u32 s21, $0x3;
	[tilespmem:s20+$0xB0] =	vst v1  }
0xa6: {  	s31 =	sadd.s32 s5, s21;
	[tilespmem:s20+$0x130] =	vst v63  }
0xa7: {  	[hbm4b:s31+s2] =	stream.linear.scatter [tilespmem:s14], [sflag:$0x2], $0x4000, $0x38;
	[tilespmem:$0x16400] =	vst v63  }
.Ltmp4:
0xa8: {  	(pc) =	sbr.rel .LBB2_7-.Ltmp4, $4  }
0xa9: {  	_ = 	snop  }
0xaa: {  	_ =	swait.ge [sflag:s13], $0x4000  }
0xab: {  	[sflag:s13] =	ssyncset.done $0x0  }
0xac: {  	[sflag:s13] =	ssyncadd.s32 $0xFFFFC000  }
.LBB2_6:
0xad: {  	s20 =	sshll.u32 s18, $0x8  }
0xae: {  	s20 =	sand.u32 $0x3FFFFF00, s20  }
.Ltmp5:
0xaf: {  	s20 =	sadd.s32 $0x100, s20;
	(pc) =	sbr.rel @p0 .LBB2_8-.Ltmp5, $4  }
0xb0: {  	[tilespmem:s11], [sflag:$0x1] =	stream.indirect.gather [hbm4b:s3+s10], $0x80, s20, s10, $0xb8;
	[tilespmem:$0x16400] =	vst v63  }
0xb1: {  	_ =	swait.ge [sflag:s13], $0x4000  }
0xb2: {  	[sflag:s13] =	ssyncset.done $0x0  }
0xb3: {  	[sflag:s13] =	ssyncadd.s32 $0xFFFFC000  }
.LBB2_7:
0xb4: {  	_ =	swait.ge [sflag:s15], $0x4000  }
0xb5: {  	[sflag:s15] =	ssyncset.done $0x0  }
0xb6: {  	[sflag:s15] =	ssyncadd.s32 $0xFFFFC000  }
.LBB2_8:
0xb7: {  	s20 =	simm.s32 $0x0  }
0xb8: {  	v0 =	vld [tilespmem:s20+$0xA7B0]  }
0xb9: {  	v1 =	vld [tilespmem:s20+$0xA7F0]  }
0xba: {  	v2 =	vld [tilespmem:s20+$0xA400]  }
0xbb: {  	v3 =	vld [tilespmem:s20+$0xA440]  }
0xbc: {  	v4 =	vld [tilespmem:s20+$0xA410]  }
0xbd: {  	v5 =	vld [tilespmem:s20+$0xA450]  }
0xbe: {  	v6 =	vld [tilespmem:s20+$0xA420]  }
0xbf: {  	v7 =	vld [tilespmem:s20+$0xA460]  }
0xc0: {  	v8 =	vld [tilespmem:s20+$0xA430]  }
0xc1: {  	v9 =	vld [tilespmem:s20+$0xA470]  }
0xc2: {  	v10 =	vld [tilespmem:s20+$0xA480]  }
0xc3: {  	v11 =	vld [tilespmem:s20+$0xA4C0]  }
0xc4: {  	v12 =	vld [tilespmem:s20+$0xA490]  }
0xc5: {  	v13 =	vld [tilespmem:s20+$0xA4D0]  }
0xc6: {  	v14 =	vld [tilespmem:s20+$0xA4A0]  }
0xc7: {  	v15 =	vld [tilespmem:s20+$0xA4E0]  }
0xc8: {  	v16 =	vld [tilespmem:s20+$0xA4B0]  }
0xc9: {  	v17 =	vld [tilespmem:s20+$0xA4F0]  }
0xca: {  	v18 =	vld [tilespmem:s20+$0xA500]  }
0xcb: {  	v19 =	vld [tilespmem:s20+$0xA540]  }
0xcc: {  	v20 =	vld [tilespmem:s20+$0xA510]  }
0xcd: {  	v21 =	vld [tilespmem:s20+$0xA550]  }
0xce: {  	v22 =	vld [tilespmem:s20+$0xA520]  }
0xcf: {  	v23 =	vld [tilespmem:s20+$0xA560]  }
0xd0: {  	v24 =	vld [tilespmem:s20+$0xA530]  }
0xd1: {  	v25 =	vld [tilespmem:s20+$0xA570]  }
0xd2: {  	v26 =	vld [tilespmem:s20+$0xA580]  }
0xd3: {  	v27 =	vld [tilespmem:s20+$0xA5C0]  }
0xd4: {  	v28 =	vld [tilespmem:s20+$0xA590]  }
0xd5: {  	v29 =	vld [tilespmem:s20+$0xA5D0]  }
0xd6: {  	v30 =	vld [tilespmem:s20+$0xA5A0]  }
0xd7: {  	v31 =	vld [tilespmem:s20+$0xA5E0]  }
0xd8: {  	v32 =	vld [tilespmem:s20+$0xA5B0]  }
0xd9: {  	v51 =	vld [tilespmem:s20+$0xA660];
	v0 =	vadd.f32 v1, v0  }
0xda: {  	v52 =	vld [tilespmem:s20+$0xA630];
	v2 =	vadd.f32 v3, v2  }
0xdb: {  	v53 =	vld [tilespmem:s20+$0xA670];
	[tilespmem:s20+$0x127B0] =	vst v0;
	v0 =	vadd.f32 v5, v4  }
0xdc: {  	v54 =	vld [tilespmem:s20+$0xA680];
	[tilespmem:s20+$0x12400] =	vst v2;
	v2 =	vadd.f32 v7, v6  }
0xdd: {  	v55 =	vld [tilespmem:s20+$0xA6C0];
	[tilespmem:s20+$0x12410] =	vst v0;
	v0 =	vadd.f32 v9, v8  }
0xde: {  	v56 =	vld [tilespmem:s20+$0xA690];
	[tilespmem:s20+$0x12420] =	vst v2;
	v2 =	vadd.f32 v11, v10  }
0xdf: {  	v57 =	vld [tilespmem:s20+$0xA6D0];
	[tilespmem:s20+$0x12430] =	vst v0;
	v0 =	vadd.f32 v13, v12  }
0xe0: {  	v58 =	vld [tilespmem:s20+$0xA6A0];
	[tilespmem:s20+$0x12480] =	vst v2;
	v2 =	vadd.f32 v15, v14  }
0xe1: {  	v59 =	vld [tilespmem:s20+$0xA6E0];
	[tilespmem:s20+$0x12490] =	vst v0;
	v0 =	vadd.f32 v17, v16  }
0xe2: {  	v1 =	vld [tilespmem:s20+$0xA5F0];
	[tilespmem:s20+$0x124A0] =	vst v2;
	v2 =	vadd.f32 v19, v18  }
0xe3: {  	v3 =	vld [tilespmem:s20+$0xA600];
	[tilespmem:s20+$0x124B0] =	vst v0;
	v0 =	vadd.f32 v21, v20  }
0xe4: {  	v4 =	vld [tilespmem:s20+$0xA640];
	[tilespmem:s20+$0x12500] =	vst v2;
	v2 =	vadd.f32 v23, v22  }
0xe5: {  	v5 =	vld [tilespmem:s20+$0xA610];
	[tilespmem:s20+$0x12510] =	vst v0;
	v0 =	vadd.f32 v25, v24  }
0xe6: {  	v6 =	vld [tilespmem:s20+$0xA650];
	[tilespmem:s20+$0x12520] =	vst v2;
	v2 =	vadd.f32 v27, v26  }
0xe7: {  	v7 =	vld [tilespmem:s20+$0xA620];
	[tilespmem:s20+$0x12530] =	vst v0;
	v0 =	vadd.f32 v29, v28  }
0xe8: {  	v60 =	vld [tilespmem:s20+$0xA6B0];
	[tilespmem:s20+$0x12580] =	vst v2;
	v2 =	vadd.f32 v31, v30  }
0xe9: {  	v61 =	vld [tilespmem:s20+$0xA760];
	[tilespmem:s20+$0x12590] =	vst v0;
	v0 =	vadd.f32 v1, v32  }
0xea: {  	v1 =	vld [tilespmem:s20+$0xA6F0];
	[tilespmem:s20+$0x125A0] =	vst v2;
	v2 =	vadd.f32 v4, v3  }
0xeb: {  	v3 =	vld [tilespmem:s20+$0xA700];
	[tilespmem:s20+$0x125B0] =	vst v0;
	v0 =	vadd.f32 v6, v5  }
0xec: {  	v4 =	vld [tilespmem:s20+$0xA740];
	[tilespmem:s20+$0x12600] =	vst v2;
	v2 =	vadd.f32 v51, v7  }
0xed: {  	v5 =	vld [tilespmem:s20+$0xA710];
	[tilespmem:s20+$0x12610] =	vst v0;
	v0 =	vadd.f32 v53, v52  }
0xee: {  	v6 =	vld [tilespmem:s20+$0xA750];
	[tilespmem:s20+$0x12620] =	vst v2;
	v2 =	vadd.f32 v55, v54  }
0xef: {  	v7 =	vld [tilespmem:s20+$0xA720];
	v1 =	vadd.f32 v1, v60;
	[tilespmem:s20+$0x12630] =	vst v0  }
0xf0: {  	v62 =	vld [tilespmem:s20+$0xA730];
	v0 =	vadd.f32 v57, v56;
	[tilespmem:s20+$0x12680] =	vst v2  }
0xf1: {  	v63 =	vld [tilespmem:s20+$0xA770];
	v2 =	vadd.f32 v59, v58;
	[tilespmem:s20+$0x126B0] =	vst v1  }
0xf2: {  	v3 =	vadd.f32 v4, v3;
	[tilespmem:s20+$0x12690] =	vst v0;
	v0 =	vld [tilespmem:s20+$0xA780]  }
0xf3: {  	v4 =	vadd.f32 v6, v5;
	[tilespmem:s20+$0x126A0] =	vst v2;
	v2 =	vld [tilespmem:s20+$0xA7C0]  }
0xf4: {  	[tilespmem:s20+$0x12700] =	vst v3;
	v5 =	vadd.f32 v61, v7;
	v1 =	vld [tilespmem:s20+$0xA790]  }
0xf5: {  	v3 =	vld [tilespmem:s20+$0xA7D0];
	[tilespmem:s20+$0x12710] =	vst v4  }
0xf6: {  	s21 =	simm.s32 $0x0;
	s22 =	simm.s32 $0x1000;
	[tilespmem:s20+$0x12720] =	vst v5;
	v5 =	vadd.f32 v63, v62;
	v4 =	vld [tilespmem:s20+$0xA7A0]  }
.LBB2_9:
0xf7: {  	s23 =	sshra.s32 s22, $0x2;
	v6 =	vld [tilespmem:s20+$0xA7E0]  }
0xf8: {  	s21 =	sadd.s32 $0x8, s21;
	v7 =	vld [tilespmem:s23+$0xA7B0];
	[tilespmem:s20+$0x12730] =	vst v5;
	v0 =	vadd.f32 v2, v0  }
0xf9: {  	p0 =	slt.u32 s21, $0x78;
	v2 =	vld [tilespmem:s23+$0xA7F0]  }
0xfa: {  	v5 =	vld [tilespmem:s23+$0xA400];
	[tilespmem:s20+$0x12780] =	vst v0;
	v0 =	vadd.f32 v3, v1  }
0xfb: {  	v1 =	vld [tilespmem:s23+$0xA440]  }
0xfc: {  	v3 =	vld [tilespmem:s23+$0xA410];
	[tilespmem:s20+$0x12790] =	vst v0;
	v0 =	vadd.f32 v6, v4  }
0xfd: {  	v4 =	vld [tilespmem:s23+$0xA450]  }
0xfe: {  	v6 =	vld [tilespmem:s23+$0xA420];
	v2 =	vadd.f32 v2, v7;
	[tilespmem:s20+$0x127A0] =	vst v0;
	s20 =	smov.u32 s23  }
0xff: {  	v0 =	vld [tilespmem:s20+$0xA460]  }
0x100: {  	v1 =	vadd.f32 v1, v5;
	v5 =	vld [tilespmem:s20+$0xA430];
	[tilespmem:s20+$0x127B0] =	vst v2  }
0x101: {  	v2 =	vld [tilespmem:s20+$0xA470]  }
0x102: {  	[tilespmem:s20+$0x12400] =	vst v1;
	v1 =	vadd.f32 v4, v3;
	v3 =	vld [tilespmem:s20+$0xA480]  }
0x103: {  	v4 =	vld [tilespmem:s20+$0xA4C0]  }
0x104: {  	[tilespmem:s20+$0x12410] =	vst v1;
	v0 =	vadd.f32 v0, v6;
	v1 =	vld [tilespmem:s20+$0xA490]  }
0x105: {  	v6 =	vld [tilespmem:s20+$0xA4D0]  }
0x106: {  	[tilespmem:s20+$0x12420] =	vst v0;
	v0 =	vadd.f32 v2, v5;
	v2 =	vld [tilespmem:s20+$0xA4A0]  }
0x107: {  	v5 =	vld [tilespmem:s20+$0xA4E0]  }
0x108: {  	[tilespmem:s20+$0x12430] =	vst v0;
	v0 =	vadd.f32 v4, v3;
	v3 =	vld [tilespmem:s20+$0xA4B0]  }
0x109: {  	v4 =	vld [tilespmem:s20+$0xA4F0]  }
0x10a: {  	[tilespmem:s20+$0x12480] =	vst v0;
	v0 =	vadd.f32 v6, v1;
	v1 =	vld [tilespmem:s20+$0xA500]  }
0x10b: {  	v6 =	vld [tilespmem:s20+$0xA540]  }
0x10c: {  	[tilespmem:s20+$0x12490] =	vst v0;
	v0 =	vadd.f32 v5, v2;
	v2 =	vld [tilespmem:s20+$0xA510]  }
0x10d: {  	v5 =	vld [tilespmem:s20+$0xA550]  }
0x10e: {  	[tilespmem:s20+$0x124A0] =	vst v0;
	v0 =	vadd.f32 v4, v3;
	v3 =	vld [tilespmem:s20+$0xA520]  }
0x10f: {  	v4 =	vld [tilespmem:s20+$0xA560]  }
0x110: {  	[tilespmem:s20+$0x124B0] =	vst v0;
	v0 =	vadd.f32 v6, v1;
	v1 =	vld [tilespmem:s20+$0xA530]  }
0x111: {  	v6 =	vld [tilespmem:s20+$0xA570]  }
0x112: {  	[tilespmem:s20+$0x12500] =	vst v0;
	v0 =	vadd.f32 v5, v2;
	v2 =	vld [tilespmem:s20+$0xA580]  }
0x113: {  	v5 =	vld [tilespmem:s20+$0xA5C0]  }
0x114: {  	[tilespmem:s20+$0x12510] =	vst v0;
	v0 =	vadd.f32 v4, v3;
	v3 =	vld [tilespmem:s20+$0xA590]  }
0x115: {  	v4 =	vld [tilespmem:s20+$0xA5D0]  }
0x116: {  	[tilespmem:s20+$0x12520] =	vst v0;
	v0 =	vadd.f32 v6, v1;
	v1 =	vld [tilespmem:s20+$0xA5A0]  }
0x117: {  	v6 =	vld [tilespmem:s20+$0xA5E0]  }
0x118: {  	[tilespmem:s20+$0x12530] =	vst v0;
	v0 =	vadd.f32 v5, v2;
	v2 =	vld [tilespmem:s20+$0xA5B0]  }
0x119: {  	v5 =	vld [tilespmem:s20+$0xA5F0]  }
0x11a: {  	[tilespmem:s20+$0x12580] =	vst v0;
	v0 =	vadd.f32 v4, v3;
	v3 =	vld [tilespmem:s20+$0xA600]  }
0x11b: {  	v4 =	vld [tilespmem:s20+$0xA640]  }
0x11c: {  	[tilespmem:s20+$0x12590] =	vst v0;
	v0 =	vadd.f32 v6, v1;
	v1 =	vld [tilespmem:s20+$0xA610]  }
0x11d: {  	v6 =	vld [tilespmem:s20+$0xA650]  }
0x11e: {  	[tilespmem:s20+$0x125A0] =	vst v0;
	v0 =	vadd.f32 v5, v2;
	v2 =	vld [tilespmem:s20+$0xA620]  }
0x11f: {  	v5 =	vld [tilespmem:s20+$0xA660]  }
0x120: {  	[tilespmem:s20+$0x125B0] =	vst v0;
	v0 =	vadd.f32 v4, v3;
	v3 =	vld [tilespmem:s20+$0xA630]  }
0x121: {  	v4 =	vld [tilespmem:s20+$0xA670]  }
0x122: {  	[tilespmem:s20+$0x12600] =	vst v0;
	v0 =	vadd.f32 v6, v1;
	v1 =	vld [tilespmem:s20+$0xA680]  }
0x123: {  	v6 =	vld [tilespmem:s20+$0xA6C0]  }
0x124: {  	[tilespmem:s20+$0x12610] =	vst v0;
	v0 =	vadd.f32 v5, v2;
	v2 =	vld [tilespmem:s20+$0xA690]  }
0x125: {  	v5 =	vld [tilespmem:s20+$0xA6D0]  }
0x126: {  	[tilespmem:s20+$0x12620] =	vst v0;
	v0 =	vadd.f32 v4, v3;
	v3 =	vld [tilespmem:s20+$0xA6A0]  }
0x127: {  	v4 =	vld [tilespmem:s20+$0xA6E0]  }
0x128: {  	[tilespmem:s20+$0x12630] =	vst v0;
	v0 =	vadd.f32 v6, v1;
	v1 =	vld [tilespmem:s20+$0xA6B0]  }
0x129: {  	v6 =	vld [tilespmem:s20+$0xA6F0]  }
0x12a: {  	[tilespmem:s20+$0x12680] =	vst v0;
	v0 =	vadd.f32 v5, v2;
	v2 =	vld [tilespmem:s20+$0xA700]  }
0x12b: {  	v5 =	vld [tilespmem:s20+$0xA740]  }
0x12c: {  	[tilespmem:s20+$0x12690] =	vst v0;
	v0 =	vadd.f32 v4, v3;
	v3 =	vld [tilespmem:s20+$0xA710]  }
0x12d: {  	v4 =	vld [tilespmem:s20+$0xA750]  }
0x12e: {  	[tilespmem:s20+$0x126A0] =	vst v0;
	v0 =	vadd.f32 v6, v1;
	v1 =	vld [tilespmem:s20+$0xA720]  }
0x12f: {  	v6 =	vld [tilespmem:s20+$0xA760]  }
0x130: {  	[tilespmem:s20+$0x126B0] =	vst v0;
	v0 =	vadd.f32 v5, v2;
	v5 =	vld [tilespmem:s20+$0xA730]  }
0x131: {  	v7 =	vld [tilespmem:s20+$0xA770]  }
.Ltmp6:
0x132: {  	[tilespmem:s20+$0x12700] =	vst v0;
	v3 =	vadd.f32 v4, v3;
	v0 =	vld [tilespmem:s20+$0xA780];
	(pc) =	sbr.rel @p0 .LBB2_9-.Ltmp6, $4  }
0x133: {  	v2 =	vld [tilespmem:s20+$0xA7C0]  }
0x134: {  	[tilespmem:s20+$0x12710] =	vst v3;
	v4 =	vadd.f32 v6, v1;
	v1 =	vld [tilespmem:s20+$0xA790]  }
0x135: {  	v3 =	vld [tilespmem:s20+$0xA7D0]  }
0x136: {  	s22 =	sadd.s32 $0x1000, s22;
	[tilespmem:s20+$0x12720] =	vst v4;
	v5 =	vadd.f32 v7, v5;
	v4 =	vld [tilespmem:s20+$0xA7A0]  }
0x137: {  	v6 =	vld [tilespmem:s20+$0xA7E0];
	_ =	sdelay $0x2  }
0x138: {  	p0 =	seq.s32 s18, $0x63;
	v0 =	vadd.f32 v2, v0  }
.Ltmp7:
0x139: {  	[tilespmem:s20+$0x12730] =	vst v5;
	v1 =	vadd.f32 v3, v1;
	(pc) =	sbr.rel @p0 .LBB2_12-.Ltmp7, $4  }
0x13a: {  	s19 =	sadd.s32 s19, s7;
	[tilespmem:s20+$0x12780] =	vst v0;
	v63 =	vadd.f32 v6, v4  }
0x13b: {  	s19 =	sshrl.u32 s19, $0x3;
	[tilespmem:s20+$0x12790] =	vst v1  }
0x13c: {  	s19 =	sadd.s32 s5, s19;
	[tilespmem:s20+$0x127A0] =	vst v63  }
0x13d: {  	[hbm4b:s19+s2] =	stream.linear.scatter [tilespmem:s16], [sflag:$0x2], $0x4000, $0x38;
	[tilespmem:$0x16400] =	vst v63  }
.Ltmp8:
0x13e: {  	(pc) =	sbr.rel .LBB2_2-.Ltmp8, $4  }
0x13f: {  	s19 =	sshll.u32 s18, $0x8  }
0x140: {  	s19 =	sand.u32 $0x3FFFFF00, s19  }
0x141: {  	s18 =	sadd.s32 $0x1, s18;
	s19 =	sadd.s32 $0x180, s19  }
0x142: {  	[tilespmem:s12], [sflag:$0x1] =	stream.indirect.gather [hbm4b:s3+s10], $0x80, s19, s10, $0xb8;
	[tilespmem:$0x16400] =	vst v63  }
.LBB2_13:
0x143: {  	_ =	sfence.sel $0x180000  }
0x144: {  	[bflag:$0x0] =	sbarrier.arrive $0xFFFF  }
0x145: {  	p0 =	sne.s32 s1, $0x0;
	_ =	strace $0x90000047  }
0x146: {  	s0 =	sadd.s32 @!p0 $0x100000, s0;
	[bflag:$0x2] =	sbarrier.arrive $0xFFFF  }
0x147: {  	[sflag:s0] =	ssyncadd.tile.s32 @!p0 $0x1;
	_ =	shalt  }
.Lfunc_end2:
_tile_overlayer_lowered:
.L_overlay_start_2:
0x148: {  	(tag) =	ssettag $0x2  }
0x149: {  	s0 =	rddreg [dreg:$0x0];
	s2 =	stileid.u32  }
0x14a: {  	s1 =	rddreg [dreg:$0x1];
	p0 =	sne.s32 s2, $0x0  }
0x14b: {  	s3 =	rddreg [dreg:$0x2];
	[bflag:$0x3] =	sbarrier.arrive $0xFFFF;
	s2 =	simm.s32 @!p0 $0x1C03  }
0x14c: {  	[timem:s3], [sflag:s2] =	dma.local @!p0 [hbm:s0], s1  }
0x14d: {  	s0 =	simm.s32 @!p0 $0x3  }
0x14e: {  	_ =	swait.ge @!p0 [sflag:s0], s1  }
0x14f: {  	s1 =	ssub.s32 @!p0 $0x0, s1;
	[sflag:s0] =	ssyncset.done @!p0 $0x0  }
0x150: {  	[sflag:s0] =	ssyncadd.s32 @!p0 s1  }
0x151: {  	[bflag:$0x3] =	sbarrier.arrive $0xFFFF  }
0x152: {  	_ =	shalt  }

// kernel: sparse-core-data-format-call.cloned.1.call-start
scs
called_computation_lowered:
.L_overlay_start_0:
0x0: {  	s2 =	sld [smem:$0x3FD9]  }
0x1: {  	s3 =	sld [smem:$0x3FFE];
	_ =	sdelay $0x1  }
0x2: {  	s1 =	srdreg.scid  }
0x3: {  	s0 =	sand.u32 $0x1, s1  }
0x4: {  	s18 =	sshll.u32 s0, $0xA;
	s2 =	sadd.s32 s3, s2  }
0x5: {  	s2 =	sadd.s32 s2, s18  }
0x6: {  	[smem:$0x3FC5] =	sst s2  }
0x7: {  	_ = 	snop  }
0x8: {  	s2 =	sld [smem:$0x3FD0];
	(tm) =	ssettm $0x1  }
0x9: {  	s19 =	sld [smem:$0x3FFB];
	_ =	sdelay $0x3  }
0xa: {  	_ =	strace s19  }
0xb: {  	s3 =	sld [smem:$0x3FFC];
	_ =	sdelay $0x3  }
0xc: {  	_ =	strace s3  }
0xd: {  	s3 =	sld [smem:$0x3FFD];
	_ =	sdelay $0x3  }
0xe: {  	_ =	strace s3  }
0xf: {  	_ =	strace $0x8FFFFFFF  }
0x10: {  	s20 =	sld [smem:$0x3FDB];
	_ =	sdelay $0x1  }
0x11: {  	s4 =	simm.s32 $_scs_section_size  }
0x12: {  	s5 =	simm.s32 $_size__tile_overlayer_lowered;
	s6 =	simm.s32 $_tile_overlayer_lowered  }
0x13: {  	s23 =	simm.s32 $0x1BFF;
	s22 =	sshll.u32 s6, $0x1;
	s3 =	sadd.s32 s4, s20  }
0x14: {  	s7 =	simm.s32 $0x0;
	s21 =	sshll.u32 s5, $0x1;
	s5 =	sadd.s32 s22, s3  }
0x15: {  	[timem:s7], [sflag:s23] =	dma.local [hbm:s5], s21  }
0x16: {  	_ =	swait.ge [sflag:s23], s21  }
0x17: {  	s4 =	ssub.s32 $0x0, s21;
	[sflag:s23] =	ssyncset.done $0x0  }
0x18: {  	[sflag:s23] =	ssyncadd.s32 s4;
	_ =	sdelay $0x1  }
0x19: {  	s24 =	simm.s32 $0x1B8B  }
0x1a: {  	_ =	swait.ge [sflag:s24], $0x1  }
0x1b: {  	[sflag:s24] =	ssyncset.done $0x0  }
0x1c: {  	s26 =	simm.s32 $0x1B8E;
	s25 =	sld [smem:$0x3FFE];
	[sflag:s24] =	ssyncadd.s32 $0xFFFFFFFF  }
0x1d: {  	s27 =	simm.s32 $execute0_lowered;
	[smem:$0x3FD2] =	sst s26  }
0x1e: {  	s5 =	sshll.u32 s27, $0x1;
	_ =	strace $0x80000049;
	[dreg:$0x1] =	wrdreg $0xFFFFFFFF  }
0x1f: {  	s28 =	simm.s32 $_size_execute0_lowered;
	s3 =	sadd.s32 s3, s5;
	[dreg:$0x0] =	wrdreg $0x0  }
0x20: {  	s5 =	sshll.u32 s28, $0x1;
	[dreg:$0x2] =	wrdreg s3  }
0x21: {  	[dreg:$0x3] =	wrdreg s5  }
0x22: {  	[dreg:$0x4] =	wrdreg $0xC0  }
0x23: {  	_ =	task [dreg:s7], $0x5FFFF  }
0x24: {  	[dreg:$0x1] =	wrdreg $0xFFFFFFFF  }
0x25: {  	[dreg:$0x0] =	wrdreg $0x60  }
0x26: {  	[dreg:$0x2] =	wrdreg s25  }
0x27: {  	[dreg:$0x3] =	wrdreg s2  }
0x28: {  	[dreg:$0x4] =	wrdreg $0x9  }
0x29: {  	_ =	task.clear_ibuf [dreg:s7], $0x5FFFF;
	_ =	strace $0x90000049  }
0x2a: {  	s29 =	simm.s32 $0x9;
	_ =	strace $0x8000004B  }
0x2b: {  	_ =	swait.ge [sflag:s29], $0x1  }
0x2c: {  	[sflag:s29] =	ssyncadd.s32 $0xFFFFFFFF  }
0x2d: {  	_ =	strace $0x9000004B  }
0x2e: {  	_ =	sfence  }
0x2f: {  	s30 =	sld [smem:$0x0];
	_ =	sdelay $0x2  }
0x30: {  	s31 =	sshll.u32 s1, $0xD;
	s1 =	sshrl.u32 s1, $0x2  }
0x31: {  	s3 =	sand.u32 $0x4000, s31;
	s1 =	sadd.s32 s1, s30  }
0x32: {  	s0 =	sor.u32 s3, s0;
	s1 =	sshll.u32 s1, $0x11  }
0x33: {  	s0 =	sor.u32 s1, s0  }
0x34: {  	s0 =	sadd.s32 $0x8F2B, s0  }
0x35: {  	[sflag:s0] =	ssyncadd.remote.s32 $0x1  }
0x36: {  	_ =	sfence.sel $0xFFFF  }
0x37: {  	[dreg:$0x0] =	wrdreg $0xFFFFFFFF;
	(pc) =	sbr.abs _section_cstart, $3  }
0x38: {  	[dreg:$0x1] =	wrdreg $0xFFFFFFFF  }
0x39: {  	_ =	task.clear_ibuf [dreg:s7], $0x2FFFF;
	_ =	strace $0x9FFFFFFF  }
0x3a: {  	(tm) =	ssettm $0x7FFFFFFF  }
0x3b: {  	_ =	shalt  }
tec
execute0_lowered:
.L_overlay_start_1:
0x0: {  	(tag) =	ssettag $0x1  }
0x1: {  	s0 =	srdreg.scid  }
0x2: {  	s1 =	sshll.u32 s0, $0x4  }
0x3: {  	s0 =	stileid.u32;
	s1 =	sand.u32 $0x10, s1  }
0x4: {  	s1 =	sor.u32 s0, s1  }
0x5: {  	s6 =	rddreg [dreg:$0x0];
	s4 =	simm.s32 $0x1;
	s2 =	sshll.u32 s1, $0x7  }
0x6: {  	s7 =	simm.s32 $0x2;
	s12 =	simm.s32 $0x0;
	s1 =	ssub.s32 $0x1000, s2  }
0x7: {  	s8 =	simm.s32 $0x8000;
	s13 =	simm.s32 $0x0;
	s3 =	sand.u32 $0xF80, s1  }
0x8: {  	s9 =	simm.s32 $0x0;
	s5 =	sshrl.u32 s1, $0xC;
	p0 =	sne.s32 s3, $0x0  }
.Ltmp0:
0x9: {  	s1 =	rddreg [dreg:$0x2];
	s4 =	simm.s32 @!p0 $0x0;
	(pc) =	sbr.rel .LBB1_1-.Ltmp0, $4  }
0xa: {  	s11 =	simm.s32 $0x0;
	s3 =	rddreg [dreg:$0x1];
	s5 =	sadd.s32 s4, s5  }
0xb: {  	_ =	strace $0x8000004A;
	s4 =	simm.s32 $0x1;
	s5 =	smul.u32 $0xC8, s5  }
0xc: {  	s6 =	sadd.s32 $0x328800, s6;
	s10 =	smov.u32 s2;
	[sflag:s4] =	ssyncpa.u1 $0x0  }
0xd: {  	p0 =	por $0x0, $0x0;
	[sflag:s7] =	ssyncpa.u1 $0x0;
	s7 =	sor.u32 $0x1, s5  }
.LBB1_4:
0xe: {  	s16 =	sshll.u32 s13, $0x3;
	s17 =	sand.u32 $0x78, s13  }
0xf: {  	s30 =	sand.u32 $0x7E00, s13;
	s12 =	sshll.u32 s12, $0xF;
	s16 =	sand.u32 $0xC00, s16  }
0x10: {  	[tilespmem:s15+$0x810 ss:$0x81] =	vst.msk $0xffff, v2;
	s31 =	sand.u32 $0x7, s13;
	s16 =	sor.u32 s17, s16;
	s17 =	sadd.s32 s3, s30  }
0x11: {  	[tilespmem:s15+$0x1020 ss:$0x81] =	vst.msk $0xffff, v0;
	s13 =	sshll.u32 s31, $0x12;
	s12 =	sadd.s32 s12, s17;
	s16 =	sshrl.u32 s16, $0x3  }
0x12: {  	[tilespmem:s15+$0x0 ss:$0x81] =	vst.msk $0xffff, v1;
	s13 =	sor.u32 $0x400, s13;
	s12 =	sadd.s32 s16, s12  }
0x13: {  	[hbm4b:s12+s13] =	stream.strided.scatter [tilespmem:s14], [sflag:$0x2], $0x2000, s8, s13, $0x20;
	[tilespmem:$0x8080] =	vst v63  }
.LBB1_5:
0x14: {  	s14 =	sadd.s32 $0x1, s9  }
0x15: {  	s12 =	sadd.s32 $0x1000, s10;
	s16 =	smov.u32 s10;
	p2 =	sgt.s32 s14, $0xC7  }
0x16: {  	s16 =	smov.u32 @p2 s12  }
0x17: {  	s14 =	simm.s32 @p2 $0x0;
	p2 =	sgt.s32 s16, $0xFFF  }
0x18: {  	s16 =	smov.u32 @p2 s2;
	p2 =	sne.s32 s11, s7  }
.Ltmp1:
0x19: {  	p1 =	slt.u32 s11, $0x2;
	(pc) =	sbr.rel @!p2 .LBB1_6-.Ltmp1, $4  }
0x1a: {  	s15 =	simm.s32 @!p1 $0x2  }
0x1b: {  	s13 =	smov.u32 s10;
	p0 =	por !p0, !p0;
	_ =	swait.ge @!p1 [sflag:s15], $0x2000  }
0x1c: {  	s12 =	smov.u32 s9;
	[sflag:s15] =	ssyncset.done @!p1 $0x0;
	s9 =	smov.u32 s14  }
0x1d: {  	s11 =	sadd.s32 $0x1, s11;
	[sflag:s15] =	ssyncadd.s32 @!p1 $0xFFFFE000;
	s10 =	smov.u32 s16  }
.LBB1_1:
0x1e: {  	p1 =	sge.u32 s11, s5  }
0x1f: {  	s14 =	sand.u32 @!p1 $0x1FFFFFF, s9  }
0x20: {  	s15 =	smulhi.u32 @!p1 $0x147AE15, s14;
	_ =	sdelay $0x1  }
0x21: {  	s15 =	smul.u32 @!p1 $0xC8, s15  }
0x22: {  	s16 =	sxor.u32 @!p1 $0xFFFFFFFF, s11;
	s17 =	smul.u32 @!p1 $0xC80, s10  }
0x23: {  	s31 =	sadd.s32 $0xFFFFFFFF, s11;
	s16 =	sshll.u32 @!p1 s16, $0xD;
	s14 =	ssub.s32 @!p1 s14, s15  }
0x24: {  	s15 =	sand.u32 @!p1 $0x2000, s16;
	s16 =	sadd.s32 @!p1 s6, s17;
	s14 =	sshll.u32 @!p1 s14, $0x4  }
0x25: {  	s17 =	simm.s32 @!p1 $0x6400;
	s14 =	sadd.s32 @!p1 s14, s16;
	s16 =	simm.s32 @!p1 $0x40  }
0x26: {  	[tilespmem:s15], [sflag:$0x1] =	stream.strided.gather @!p1 [hbm4b:s14+s16], $0x2000, s17, s16, $0x38;
	[tilespmem:$0x8080] =	vst v63  }
0x27: {  	p1 =	sge.u32 s31, s5  }
.Ltmp2:
0x28: {  	_ = 	snop;
	(pc) =	sbr.rel @p1 .LBB1_5-.Ltmp2, $1  }
0x29: {  	_ =	sdelay $0x3  }
0x2a: {  	s14 =	simm.s32 $0x1  }
0x2b: {  	_ =	swait.ge [sflag:s4], $0x2000;
	s14 =	simm.s32 @!p0 $0x0  }
0x2c: {  	[sflag:s4] =	ssyncset.done $0x0;
	s15 =	sshll.u32 s14, $0xD  }
0x2d: {  	[sflag:s4] =	ssyncadd.s32 $0xFFFFE000;
	s18 =	sor.u32 $0x20, s15  }
0x2e: {  	s14 =	smul.u32 $0x8100, s14;
	v3 =	vld [tilespmem:s18+$0x10]  }
0x2f: {  	s30 =	sand.u32 $0x1, s11;
	v2 =	vld [tilespmem:s18+$0xFFFFFFF0]  }
0x30: {  	s15 =	smul.u32 $0x8100, s30;
	s14 =	sshrl.u32 s14, $0x2;
	v0 =	vld [tilespmem:s18+$0x0]  }
0x31: {  	v1 =	vld [tilespmem:s18+$0xFFFFFFE0];
	s16 =	sor.u32 $0x4000, s14  }
0x32: {  	s31 =	sshrl.u32 s15, $0x2;
	s15 =	sadd.s32 $0x0, s16  }
0x33: {  	s17 =	simm.s32 $0x4;
	s18 =	sadd.s32 $0x40, s18;
	s14 =	sor.u32 $0x4000, s31;
	[tilespmem:s15+$0x1830 ss:$0x81] =	vst.msk $0xffff, v3  }
.LBB1_3:
0x34: {  	v3 =	vld [tilespmem:s18+$0x10];
	p1 =	sne.s32 s17, $0x1FC;
	[tilespmem:s15+$0x810 ss:$0x81] =	vst.msk $0xffff, v2;
	s19 =	smov.u32 s17;
	s17 =	sadd.s32 $0x4, s17  }
.Ltmp3:
0x35: {  	v2 =	vld [tilespmem:s18+$0xFFFFFFF0];
	[tilespmem:s15+$0x1020 ss:$0x81] =	vst.msk $0xffff, v0;
	(pc) =	sbr.rel @p1 .LBB1_3-.Ltmp3, $4  }
0x36: {  	v0 =	vld [tilespmem:s18+$0x0];
	[tilespmem:s15+$0x0 ss:$0x81] =	vst.msk $0xffff, v1  }
0x37: {  	s15 =	sshra.s32 s19, $0x2;
	v1 =	vld [tilespmem:s18+$0xFFFFFFE0]  }
0x38: {  	s15 =	sadd.s32 s15, s16  }
0x39: {  	s18 =	sadd.s32 $0x40, s18;
	[tilespmem:s15+$0x1830 ss:$0x81] =	vst.msk $0xffff, v3  }
.Ltmp4:
0x3a: {  	_ = 	snop;
	(pc) =	sbr.rel .LBB1_4-.Ltmp4, $1  }
0x3b: {  	_ =	sdelay $0x3  }
.LBB1_6:
0x3c: {  	_ =	sfence.sel $0x180000  }
0x3d: {  	s2 =	simm.s32 $0x1;
	[bflag:$0x0] =	sbarrier.arrive $0xFFFF  }
0x3e: {  	s31 =	simm.s32 $0x2;
	[sflag:s2] =	ssyncpa.u1 $0x1  }
0x3f: {  	[sflag:s31] =	ssyncpa.u1 $0x1  }
0x40: {  	p0 =	sne.s32 s0, $0x0;
	_ =	strace $0x9000004A  }
0x41: {  	s0 =	sadd.s32 @!p0 $0x100000, s1;
	[bflag:$0x2] =	sbarrier.arrive $0xFFFF  }
0x42: {  	[sflag:s0] =	ssyncadd.tile.s32 @!p0 $0x1;
	_ =	shalt  }
.Lfunc_end1:
_tile_overlayer_lowered:
.L_overlay_start_2:
0x43: {  	(tag) =	ssettag $0x2  }
0x44: {  	s0 =	rddreg [dreg:$0x0];
	s2 =	stileid.u32  }
0x45: {  	s1 =	rddreg [dreg:$0x1];
	p0 =	sne.s32 s2, $0x0  }
0x46: {  	s3 =	rddreg [dreg:$0x2];
	[bflag:$0x3] =	sbarrier.arrive $0xFFFF;
	s2 =	simm.s32 @!p0 $0x1C01  }
0x47: {  	[timem:s3], [sflag:s2] =	dma.local @!p0 [hbm:s0], s1  }
0x48: {  	s0 =	simm.s32 @!p0 $0x1  }
0x49: {  	_ =	swait.ge @!p0 [sflag:s0], s1  }
0x4a: {  	s1 =	ssub.s32 @!p0 $0x0, s1;
	[sflag:s0] =	ssyncset.done @!p0 $0x0  }
0x4b: {  	[sflag:s0] =	ssyncadd.s32 @!p0 s1  }
0x4c: {  	[bflag:$0x3] =	sbarrier.arrive $0xFFFF  }
0x4d: {  	_ =	shalt  }

</sc_bundles>
